<compile_context>
chip_gen: v7x
topology: tpu7x:2x2x1
jax: 0.10.2.dev20260603
libtpu: 0.0.44.dev20260713+nightly
codegen_flags: <defaults>
</compile_context>

<pallas_src>
import functools

import jax
import jax.numpy as jnp
from jax import lax
from jax.experimental import pallas as pl
from jax.experimental.pallas import tpu as pltpu
from jax.experimental.pallas import tpu_sc as plsc

_NTOKEN = 1000000
_EMSIZE = 128
_NUM_BASIS = 2
_NUM_CLUSTERS = 400
_HALF = _EMSIZE // _NUM_BASIS

_B = 4096 * 200
_NWORKERS = 32
_TOK_PER_W = _B // _NWORKERS
_CHUNK = 512
_NCHUNKS = _TOK_PER_W // _CHUNK
_GROWS = 2 * _CHUNK // 128

_mesh = plsc.VectorSubcoreMesh(core_axis_name="c", subcore_axis_name="s")


@functools.partial(
    pl.kernel,
    out_type=jax.ShapeDtypeStruct((2 * _B, _HALF), jnp.float32),
    mesh=_mesh,
    scratch_types=[
        pltpu.VMEM((_CHUNK,), jnp.int32),
        pltpu.VMEM((_GROWS, 128), jnp.int32),
        pltpu.VMEM((2 * _CHUNK,), jnp.int32),
        pltpu.VMEM((_GROWS, 128), jnp.int32),
        pltpu.VMEM((2 * _CHUNK, _HALF), jnp.float32),
        pltpu.SemaphoreType.DMA,
    ],
    compiler_params=pltpu.CompilerParams(use_tc_tiling_on_sc=False),
)
def _sc_embed(inp_hbm, coords_hbm, wtab_hbm, out_hbm, tbuf, fbuf, cbuf, ibuf,
              obuf, sem):
    wid = lax.axis_index("s") * 2 + lax.axis_index("c")
    tok0 = wid * _TOK_PER_W

    lane = lax.iota(jnp.int32, 16)
    rep_lo = lane >> 1
    rep_hi = rep_lo + 8
    basis = lane & 1

    _dn = lax.GatherDimensionNumbers(
        offset_dims=(), collapsed_slice_dims=(0,), start_index_map=(0,))

    def _lane_take(vec, idx):
        return lax.gather(vec, idx[:, None], _dn, slice_sizes=(1,),
                          mode=lax.GatherScatterMode.PROMISE_IN_BOUNDS)

    def chunk_body(ch, _):
        pltpu.sync_copy(inp_hbm.at[pl.ds(tok0 + ch * _CHUNK, _CHUNK)], tbuf)

        def fx_body(g, _):
            tv = tbuf[pl.ds(16 * g, 16)]
            lo = 2 * _lane_take(tv, rep_lo) + basis
            hi = 2 * _lane_take(tv, rep_hi) + basis
            fbuf[g >> 2, pl.ds((g & 3) * 32, 16)] = lo
            fbuf[g >> 2, pl.ds((g & 3) * 32 + 16, 16)] = hi
            return 0

        lax.fori_loop(0, _CHUNK // 16, fx_body, 0)

        cps = [
            pltpu.async_copy(coords_hbm.at[fbuf.at[j]],
                             cbuf.at[pl.ds(128 * j, 128)], sem)
            for j in range(_GROWS)
        ]
        for cp in cps:
            cp.wait()

        def ix_body(g, _):
            v = cbuf[pl.ds(16 * g, 16)]
            ibuf[g >> 3, pl.ds((g & 7) * 16, 16)] = v + basis * _NUM_CLUSTERS
            return 0

        lax.fori_loop(0, 2 * _CHUNK // 16, ix_body, 0)

        gps = [
            pltpu.async_copy(wtab_hbm.at[ibuf.at[j]],
                             obuf.at[pl.ds(128 * j, 128), :], sem)
            for j in range(_GROWS)
        ]
        for gp in gps:
            gp.wait()

        obase = 2 * (tok0 + ch * _CHUNK)
        pltpu.sync_copy(obuf, out_hbm.at[pl.ds(obase, 2 * _CHUNK), :])
        return 0

    lax.fori_loop(0, _NCHUNKS, chunk_body, 0)


def kernel(input, weight, coordinates):
    inp = input.reshape(-1).astype(jnp.int32)
    wtab = weight.reshape(_NUM_BASIS * _NUM_CLUSTERS, _HALF)
    coords_flat = coordinates.astype(jnp.int32).reshape(-1)
    out = _sc_embed(inp, coords_flat, wtab)
    return out.reshape(input.shape[0], input.shape[1], _EMSIZE)

# --- scband reference (transcript-rebuilt; emitter-appended) ---
"""Pipeline reference for scband-basis-embedding-47510928228963 (READ-ONLY COPY).

The authoritative reference and input builder live on the scoring server;
editing this copy changes nothing except your own understanding.
"""

import jax, jax.numpy as jnp
import numpy as np

NTOKEN = 1000000
EMSIZE = 128
NUM_BASIS = 2
NUM_CLUSTERS = 400

def setup_inputs(seed: int = 0) -> dict:
    key = jax.random.key(seed)
    k1, k2, k3 = jax.random.split(key, 3)
    inp = jax.random.randint(k1, (4096, 200), 0, NTOKEN, dtype=jnp.int64) if jax.config.jax_enable_x64 else jax.random.randint(k1, (4096, 200), 0, NTOKEN, dtype=jnp.int32)
    # coordinates buffer: (V, Nb) cluster assignment of each word per basis
    coordinates = jax.random.randint(k2, (NTOKEN, NUM_BASIS), 0, NUM_CLUSTERS, dtype=jnp.int32)
    # weight parameter: (Nb, Nc, E/Nb) cluster centroids
    weight = jax.random.uniform(k3, (NUM_BASIS, NUM_CLUSTERS, EMSIZE // NUM_BASIS), dtype=jnp.float32, minval=-0.1, maxval=0.1)
    return {"input": inp, "weight": weight, "coordinates": coordinates}

def reference(input, weight, coordinates):
    # coordinates = self.coordinates[input.view(-1)].t()  -> (Nb, B*N)
    flat = input.reshape(-1)
    coords = jnp.take(coordinates, flat, axis=0).T  # (Nb, B*N)
    partial_embeddings = []
    for cur_basis in range(NUM_BASIS):
        partial_embedding = jnp.take(weight[cur_basis], coords[cur_basis], axis=0)  # (B*N, E/Nb)
        partial_embeddings.append(partial_embedding)
    embeddings = jnp.concatenate(partial_embeddings, axis=1)  # (B*N, E)
    return embeddings.reshape(input.shape[0], input.shape[1], -1)

if __name__ == "__main__":
    import jax
    _d = setup_inputs()
    print(jax.jit(kernel)(*tuple(_d.values())))

</pallas_src>

<mosaic_0001>
#map = affine_map<(d0, d1) -> (0)>
#map1 = affine_map<(d0, d1) -> (0, 0)>
module attributes {stable_mosaic.version = 14 : i64} {
  func.func @_sc_embed(%arg0: i32, %arg1: i32, %arg2: memref<819200xi32, #tpu.memory_space<hbm>>, %arg3: memref<2000000xi32, #tpu.memory_space<hbm>>, %arg4: memref<800x64xf32, #tpu.memory_space<hbm>>, %arg5: memref<1638400x64xf32, #tpu.memory_space<hbm>>, %arg6: memref<512xi32, #tpu.memory_space<vmem>>, %arg7: memref<8x128xi32, #tpu.memory_space<vmem>>, %arg8: memref<1024xi32, #tpu.memory_space<vmem>>, %arg9: memref<8x128xi32, #tpu.memory_space<vmem>>, %arg10: memref<1024x64xf32, #tpu.memory_space<vmem>>, %arg11: memref<!tpu.dma_semaphore, #tpu.memory_space<semaphore_mem>>) attributes {dimension_semantics = [#tpu.dimension_semantics<core_parallel>, #tpu.dimension_semantics<subcore_parallel>], iteration_bounds = array<i64: 2, 16>, scalar_prefetch = 0 : i64, scratch_operands = 6 : i64, tpu.core_type = #tpu.core_type<sc_vector_subcore>, window_params = [{transform_indices = #map}, {transform_indices = #map}, {transform_indices = #map1}, {transform_indices = #map1}]} {
    %mul3A = arith.constant 2 : i32
    %mul3A_0 = arith.muli %arg1, %mul3A : i32
    %add3A = arith.addi %mul3A_0, %arg0 : i32
    %mul3A_1 = arith.constant 25600 : i32
    %mul3A_2 = arith.muli %add3A, %mul3A_1 : i32
    %iota3A = tpu.iota {dimensions = array<i32: 0>} : vector<16xi32>
    %shift_right_arithmetic3A = arith.constant 1 : i32
    %shift_right_arithmetic3A_3 = vector.broadcast %shift_right_arithmetic3A : i32 to vector<16xi32>
    %shift_right_arithmetic3A_4 = arith.shrsi %iota3A, %shift_right_arithmetic3A_3 : vector<16xi32>
    %add3A_5 = arith.constant 8 : i32
    %add3A_6 = vector.broadcast %add3A_5 : i32 to vector<16xi32>
    %add3A_7 = arith.addi %shift_right_arithmetic3A_4, %add3A_6 : vector<16xi32>
    %and3A = arith.constant 1 : i32
    %and3A_8 = vector.broadcast %and3A : i32 to vector<16xi32>
    %and3A_9 = arith.andi %iota3A, %and3A_8 : vector<16xi32>
    %scan3A = arith.constant 0 : i32
    %scan3A_10 = arith.constant 0 : i32
    %scan3A_11 = arith.constant 50 : i32
    %scan3A_12 = arith.addi %scan3A_10, %scan3A_11 : i32
    %scan3A_13 = arith.constant 1 : i32
    %scan3A_14 = scf.for %scan3A_16 = %scan3A_10 to %scan3A_12 step %scan3A_13 iter_args(%scan3A_17 = %scan3A) -> (i32)  : i32 {
      %mul3A_18 = arith.constant 512 : i32
      %mul3A_19 = arith.muli %scan3A_16, %mul3A_18 : i32
      %add3A_20 = arith.addi %mul3A_2, %mul3A_19 : i32
      "tpu.region"() ({
        %run_scoped3A = tpu.sem_alloc : memref<!tpu.dma_semaphore, #tpu.memory_space<semaphore_mem>>
        %dma_start3A_327 = tpu.memref_slice %arg2[%add3A_20] : memref<819200xi32, #tpu.memory_space<hbm>> -> memref<512xi32, #tpu.memory_space<hbm>>
        %dma_start3A_328 = tpu.memref_slice %arg2[%add3A_20] : memref<819200xi32, #tpu.memory_space<hbm>> -> memref<512xi32, #tpu.memory_space<hbm>>
        tpu.enqueue_dma source(%dma_start3A_328 : memref<512xi32, #tpu.memory_space<hbm>>) target(%arg6 : memref<512xi32, #tpu.memory_space<vmem>>) target_semaphore(%run_scoped3A : memref<!tpu.dma_semaphore, #tpu.memory_space<semaphore_mem>>)
        %dma_wait3A_329 = tpu.memref_slice %arg2[%add3A_20] : memref<819200xi32, #tpu.memory_space<hbm>> -> memref<512xi32, #tpu.memory_space<hbm>>
        %dma_wait3A_330 = tpu.memref_slice %arg2[%add3A_20] : memref<819200xi32, #tpu.memory_space<hbm>> -> memref<512xi32, #tpu.memory_space<hbm>>
        tpu.wait_dma2 semaphore(%run_scoped3A : memref<!tpu.dma_semaphore, #tpu.memory_space<semaphore_mem>>) src(%dma_wait3A_330 : memref<512xi32, #tpu.memory_space<hbm>>) dst(%arg6 : memref<512xi32, #tpu.memory_space<vmem>>)
        tpu.yield
      }) : () -> ()
      %scan3A_21 = arith.constant 0 : i32
      %scan3A_22 = arith.constant 0 : i32
      %scan3A_23 = arith.constant 32 : i32
      %scan3A_24 = arith.addi %scan3A_22, %scan3A_23 : i32
      %scan3A_25 = arith.constant 1 : i32
      %scan3A_26 = scf.for %scan3A_327 = %scan3A_22 to %scan3A_24 step %scan3A_25 iter_args(%scan3A_328 = %scan3A_21) -> (i32)  : i32 {
        %mul3A_329 = arith.constant 16 : i32
        %mul3A_330 = arith.muli %mul3A_329, %scan3A_327 : i32
        %get3A = arith.index_cast %mul3A_330 : i32 to index
        %get3A_331 = tpu.vector_load %arg6[%get3A] {strides = array<i32>} : memref<512xi32, #tpu.memory_space<vmem>>, vector<16xi32>,
        %get3A_332 = vector.shape_cast %get3A_331 : vector<16xi32> to vector<16xi32>
        %broadcast_in_dim3A = vector.shape_cast %shift_right_arithmetic3A_4 : vector<16xi32> to vector<16x1xi32>
        %gather3A = vector.shape_cast %broadcast_in_dim3A : vector<16x1xi32> to vector<16xi32>
        %gather3A_333 = tpu.dynamic_gather %get3A_332[%gather3A] in [0] : vector<16xi32>, vector<16xi32> -> vector<16xi32>
        %mul3A_334 = arith.constant 2 : i32
        %mul3A_335 = vector.broadcast %mul3A_334 : i32 to vector<16xi32>
        %mul3A_336 = arith.muli %mul3A_335, %gather3A_333 : vector<16xi32>
        %add3A_337 = arith.addi %mul3A_336, %and3A_9 : vector<16xi32>
        %broadcast_in_dim3A_338 = vector.shape_cast %add3A_7 : vector<16xi32> to vector<16x1xi32>
        %gather3A_339 = vector.shape_cast %broadcast_in_dim3A_338 : vector<16x1xi32> to vector<16xi32>
        %gather3A_340 = tpu.dynamic_gather %get3A_332[%gather3A_339] in [0] : vector<16xi32>, vector<16xi32> -> vector<16xi32>
        %mul3A_341 = arith.constant 2 : i32
        %mul3A_342 = vector.broadcast %mul3A_341 : i32 to vector<16xi32>
        %mul3A_343 = arith.muli %mul3A_342, %gather3A_340 : vector<16xi32>
        %add3A_344 = arith.addi %mul3A_343, %and3A_9 : vector<16xi32>
        %shift_right_arithmetic3A_345 = arith.constant 2 : i32
        %shift_right_arithmetic3A_346 = arith.shrsi %scan3A_327, %shift_right_arithmetic3A_345 : i32
        %and3A_347 = arith.constant 3 : i32
        %and3A_348 = arith.andi %scan3A_327, %and3A_347 : i32
        %mul3A_349 = arith.constant 32 : i32
        %mul3A_350 = arith.muli %and3A_348, %mul3A_349 : i32
        %swap3A = arith.index_cast %shift_right_arithmetic3A_346 : i32 to index
        %swap3A_351 = arith.index_cast %mul3A_350 : i32 to index
        %swap3A_352 = tpu.vector_load %arg7[%swap3A, %swap3A_351] {strides = array<i32>} : memref<8x128xi32, #tpu.memory_space<vmem>>, vector<1x16xi32>,
        %swap3A_353 = vector.shape_cast %swap3A_352 : vector<1x16xi32> to vector<16xi32>
        %swap3A_354 = vector.shape_cast %add3A_337 : vector<16xi32> to vector<1x16xi32>
        tpu.vector_store %arg7[%swap3A, %swap3A_351], %swap3A_354 {strides = array<i32>} : memref<8x128xi32, #tpu.memory_space<vmem>>, vector<1x16xi32>,
        %shift_right_arithmetic3A_355 = arith.constant 2 : i32
        %shift_right_arithmetic3A_356 = arith.shrsi %scan3A_327, %shift_right_arithmetic3A_355 : i32
        %and3A_357 = arith.constant 3 : i32
        %and3A_358 = arith.andi %scan3A_327, %and3A_357 : i32
        %mul3A_359 = arith.constant 32 : i32
        %mul3A_360 = arith.muli %and3A_358, %mul3A_359 : i32
        %add3A_361 = arith.constant 16 : i32
        %add3A_362 = arith.addi %mul3A_360, %add3A_361 : i32
        %swap3A_363 = arith.index_cast %shift_right_arithmetic3A_356 : i32 to index
        %swap3A_364 = arith.index_cast %add3A_362 : i32 to index
        %swap3A_365 = tpu.vector_load %arg7[%swap3A_363, %swap3A_364] {strides = array<i32>} : memref<8x128xi32, #tpu.memory_space<vmem>>, vector<1x16xi32>,
        %swap3A_366 = vector.shape_cast %swap3A_365 : vector<1x16xi32> to vector<16xi32>
        %swap3A_367 = vector.shape_cast %add3A_344 : vector<16xi32> to vector<1x16xi32>
        tpu.vector_store %arg7[%swap3A_363, %swap3A_364], %swap3A_367 {strides = array<i32>} : memref<8x128xi32, #tpu.memory_space<vmem>>, vector<1x16xi32>,
        %scan3A_368 = arith.constant 0 : i32
        scf.yield %scan3A_368 : i32
      }
      %scan3A_27 = arith.constant 32 : i32
      %dma_start3A = arith.constant 0 : i32
      %dma_start3A_28 = arith.constant 0 : i32
      %dma_start3A_29 = tpu.memref_slice %arg8[%dma_start3A_28] : memref<1024xi32, #tpu.memory_space<vmem>> -> memref<128xi32, #tpu.memory_space<vmem>>
      %dma_start3A_30 = arith.constant 0 : i32
      %dma_start3A_31 = tpu.memref_slice %arg7[%dma_start3A, %dma_start3A_30] : memref<8x128xi32, #tpu.memory_space<vmem>> -> memref<1x128xi32, #tpu.memory_space<vmem>>
      %dma_start3A_32 = tpu.memref_squeeze %dma_start3A_31 : memref<1x128xi32, #tpu.memory_space<vmem>> -> memref<128xi32, #tpu.memory_space<vmem>>
      %dma_start3A_33 = arith.constant 0 : i32
      %dma_start3A_34 = tpu.memref_slice %arg3[%dma_start3A_33] : memref<2000000xi32, #tpu.memory_space<hbm>> -> memref<2000000xi32, #tpu.memory_space<hbm>>
      tpu.enqueue_indirect_dma source(%dma_start3A_34 : memref<2000000xi32, #tpu.memory_space<hbm>>) target(%dma_start3A_29 : memref<128xi32, #tpu.memory_space<vmem>>) offsets(%dma_start3A_32 : memref<128xi32, #tpu.memory_space<vmem>>) semaphore(%arg11 : memref<!tpu.dma_semaphore, #tpu.memory_space<semaphore_mem>>)
      %dma_start3A_35 = arith.constant 1 : i32
      %dma_start3A_36 = arith.constant 128 : i32
      %dma_start3A_37 = tpu.memref_slice %arg8[%dma_start3A_36] : memref<1024xi32, #tpu.memory_space<vmem>> -> memref<128xi32, #tpu.memory_space<vmem>>
      %dma_start3A_38 = arith.constant 0 : i32
      %dma_start3A_39 = tpu.memref_slice %arg7[%dma_start3A_35, %dma_start3A_38] : memref<8x128xi32, #tpu.memory_space<vmem>> -> memref<1x128xi32, #tpu.memory_space<vmem>>
      %dma_start3A_40 = tpu.memref_squeeze %dma_start3A_39 : memref<1x128xi32, #tpu.memory_space<vmem>> -> memref<128xi32, #tpu.memory_space<vmem>>
      %dma_start3A_41 = arith.constant 0 : i32
      %dma_start3A_42 = tpu.memref_slice %arg3[%dma_start3A_41] : memref<2000000xi32, #tpu.memory_space<hbm>> -> memref<2000000xi32, #tpu.memory_space<hbm>>
      tpu.enqueue_indirect_dma source(%dma_start3A_42 : memref<2000000xi32, #tpu.memory_space<hbm>>) target(%dma_start3A_37 : memref<128xi32, #tpu.memory_space<vmem>>) offsets(%dma_start3A_40 : memref<128xi32, #tpu.memory_space<vmem>>) semaphore(%arg11 : memref<!tpu.dma_semaphore, #tpu.memory_space<semaphore_mem>>)
      %dma_start3A_43 = arith.constant 2 : i32
      %dma_start3A_44 = arith.constant 256 : i32
      %dma_start3A_45 = tpu.memref_slice %arg8[%dma_start3A_44] : memref<1024xi32, #tpu.memory_space<vmem>> -> memref<128xi32, #tpu.memory_space<vmem>>
      %dma_start3A_46 = arith.constant 0 : i32
      %dma_start3A_47 = tpu.memref_slice %arg7[%dma_start3A_43, %dma_start3A_46] : memref<8x128xi32, #tpu.memory_space<vmem>> -> memref<1x128xi32, #tpu.memory_space<vmem>>
      %dma_start3A_48 = tpu.memref_squeeze %dma_start3A_47 : memref<1x128xi32, #tpu.memory_space<vmem>> -> memref<128xi32, #tpu.memory_space<vmem>>
      %dma_start3A_49 = arith.constant 0 : i32
      %dma_start3A_50 = tpu.memref_slice %arg3[%dma_start3A_49] : memref<2000000xi32, #tpu.memory_space<hbm>> -> memref<2000000xi32, #tpu.memory_space<hbm>>
      tpu.enqueue_indirect_dma source(%dma_start3A_50 : memref<2000000xi32, #tpu.memory_space<hbm>>) target(%dma_start3A_45 : memref<128xi32, #tpu.memory_space<vmem>>) offsets(%dma_start3A_48 : memref<128xi32, #tpu.memory_space<vmem>>) semaphore(%arg11 : memref<!tpu.dma_semaphore, #tpu.memory_space<semaphore_mem>>)
      %dma_start3A_51 = arith.constant 3 : i32
      %dma_start3A_52 = arith.constant 384 : i32
      %dma_start3A_53 = tpu.memref_slice %arg8[%dma_start3A_52] : memref<1024xi32, #tpu.memory_space<vmem>> -> memref<128xi32, #tpu.memory_space<vmem>>
      %dma_start3A_54 = arith.constant 0 : i32
      %dma_start3A_55 = tpu.memref_slice %arg7[%dma_start3A_51, %dma_start3A_54] : memref<8x128xi32, #tpu.memory_space<vmem>> -> memref<1x128xi32, #tpu.memory_space<vmem>>
      %dma_start3A_56 = tpu.memref_squeeze %dma_start3A_55 : memref<1x128xi32, #tpu.memory_space<vmem>> -> memref<128xi32, #tpu.memory_space<vmem>>
      %dma_start3A_57 = arith.constant 0 : i32
      %dma_start3A_58 = tpu.memref_slice %arg3[%dma_start3A_57] : memref<2000000xi32, #tpu.memory_space<hbm>> -> memref<2000000xi32, #tpu.memory_space<hbm>>
      tpu.enqueue_indirect_dma source(%dma_start3A_58 : memref<2000000xi32, #tpu.memory_space<hbm>>) target(%dma_start3A_53 : memref<128xi32, #tpu.memory_space<vmem>>) offsets(%dma_start3A_56 : memref<128xi32, #tpu.memory_space<vmem>>) semaphore(%arg11 : memref<!tpu.dma_semaphore, #tpu.memory_space<semaphore_mem>>)
      %dma_start3A_59 = arith.constant 4 : i32
      %dma_start3A_60 = arith.constant 512 : i32
      %dma_start3A_61 = tpu.memref_slice %arg8[%dma_start3A_60] : memref<1024xi32, #tpu.memory_space<vmem>> -> memref<128xi32, #tpu.memory_space<vmem>>
      %dma_start3A_62 = arith.constant 0 : i32
      %dma_start3A_63 = tpu.memref_slice %arg7[%dma_start3A_59, %dma_start3A_62] : memref<8x128xi32, #tpu.memory_space<vmem>> -> memref<1x128xi32, #tpu.memory_space<vmem>>
      %dma_start3A_64 = tpu.memref_squeeze %dma_start3A_63 : memref<1x128xi32, #tpu.memory_space<vmem>> -> memref<128xi32, #tpu.memory_space<vmem>>
      %dma_start3A_65 = arith.constant 0 : i32
      %dma_start3A_66 = tpu.memref_slice %arg3[%dma_start3A_65] : memref<2000000xi32, #tpu.memory_space<hbm>> -> memref<2000000xi32, #tpu.memory_space<hbm>>
      tpu.enqueue_indirect_dma source(%dma_start3A_66 : memref<2000000xi32, #tpu.memory_space<hbm>>) target(%dma_start3A_61 : memref<128xi32, #tpu.memory_space<vmem>>) offsets(%dma_start3A_64 : memref<128xi32, #tpu.memory_space<vmem>>) semaphore(%arg11 : memref<!tpu.dma_semaphore, #tpu.memory_space<semaphore_mem>>)
      %dma_start3A_67 = arith.constant 5 : i32
      %dma_start3A_68 = arith.constant 640 : i32
      %dma_start3A_69 = tpu.memref_slice %arg8[%dma_start3A_68] : memref<1024xi32, #tpu.memory_space<vmem>> -> memref<128xi32, #tpu.memory_space<vmem>>
      %dma_start3A_70 = arith.constant 0 : i32
      %dma_start3A_71 = tpu.memref_slice %arg7[%dma_start3A_67, %dma_start3A_70] : memref<8x128xi32, #tpu.memory_space<vmem>> -> memref<1x128xi32, #tpu.memory_space<vmem>>
      %dma_start3A_72 = tpu.memref_squeeze %dma_start3A_71 : memref<1x128xi32, #tpu.memory_space<vmem>> -> memref<128xi32, #tpu.memory_space<vmem>>
      %dma_start3A_73 = arith.constant 0 : i32
      %dma_start3A_74 = tpu.memref_slice %arg3[%dma_start3A_73] : memref<2000000xi32, #tpu.memory_space<hbm>> -> memref<2000000xi32, #tpu.memory_space<hbm>>
      tpu.enqueue_indirect_dma source(%dma_start3A_74 : memref<2000000xi32, #tpu.memory_space<hbm>>) target(%dma_start3A_69 : memref<128xi32, #tpu.memory_space<vmem>>) offsets(%dma_start3A_72 : memref<128xi32, #tpu.memory_space<vmem>>) semaphore(%arg11 : memref<!tpu.dma_semaphore, #tpu.memory_space<semaphore_mem>>)
      %dma_start3A_75 = arith.constant 6 : i32
      %dma_start3A_76 = arith.constant 768 : i32
      %dma_start3A_77 = tpu.memref_slice %arg8[%dma_start3A_76] : memref<1024xi32, #tpu.memory_space<vmem>> -> memref<128xi32, #tpu.memory_space<vmem>>
      %dma_start3A_78 = arith.constant 0 : i32
      %dma_start3A_79 = tpu.memref_slice %arg7[%dma_start3A_75, %dma_start3A_78] : memref<8x128xi32, #tpu.memory_space<vmem>> -> memref<1x128xi32, #tpu.memory_space<vmem>>
      %dma_start3A_80 = tpu.memref_squeeze %dma_start3A_79 : memref<1x128xi32, #tpu.memory_space<vmem>> -> memref<128xi32, #tpu.memory_space<vmem>>
      %dma_start3A_81 = arith.constant 0 : i32
      %dma_start3A_82 = tpu.memref_slice %arg3[%dma_start3A_81] : memref<2000000xi32, #tpu.memory_space<hbm>> -> memref<2000000xi32, #tpu.memory_space<hbm>>
      tpu.enqueue_indirect_dma source(%dma_start3A_82 : memref<2000000xi32, #tpu.memory_space<hbm>>) target(%dma_start3A_77 : memref<128xi32, #tpu.memory_space<vmem>>) offsets(%dma_start3A_80 : memref<128xi32, #tpu.memory_space<vmem>>) semaphore(%arg11 : memref<!tpu.dma_semaphore, #tpu.memory_space<semaphore_mem>>)
      %dma_start3A_83 = arith.constant 7 : i32
      %dma_start3A_84 = arith.constant 896 : i32
      %dma_start3A_85 = tpu.memref_slice %arg8[%dma_start3A_84] : memref<1024xi32, #tpu.memory_space<vmem>> -> memref<128xi32, #tpu.memory_space<vmem>>
      %dma_start3A_86 = arith.constant 0 : i32
      %dma_start3A_87 = tpu.memref_slice %arg7[%dma_start3A_83, %dma_start3A_86] : memref<8x128xi32, #tpu.memory_space<vmem>> -> memref<1x128xi32, #tpu.memory_space<vmem>>
      %dma_start3A_88 = tpu.memref_squeeze %dma_start3A_87 : memref<1x128xi32, #tpu.memory_space<vmem>> -> memref<128xi32, #tpu.memory_space<vmem>>
      %dma_start3A_89 = arith.constant 0 : i32
      %dma_start3A_90 = tpu.memref_slice %arg3[%dma_start3A_89] : memref<2000000xi32, #tpu.memory_space<hbm>> -> memref<2000000xi32, #tpu.memory_space<hbm>>
      tpu.enqueue_indirect_dma source(%dma_start3A_90 : memref<2000000xi32, #tpu.memory_space<hbm>>) target(%dma_start3A_85 : memref<128xi32, #tpu.memory_space<vmem>>) offsets(%dma_start3A_88 : memref<128xi32, #tpu.memory_space<vmem>>) semaphore(%arg11 : memref<!tpu.dma_semaphore, #tpu.memory_space<semaphore_mem>>)
      %dma_wait3A = arith.constant 0 : i32
      %dma_wait3A_91 = arith.constant 0 : i32
      %dma_wait3A_92 = tpu.memref_slice %arg8[%dma_wait3A_91] : memref<1024xi32, #tpu.memory_space<vmem>> -> memref<128xi32, #tpu.memory_space<vmem>>
      %dma_wait3A_93 = arith.constant 0 : i32
      %dma_wait3A_94 = tpu.memref_slice %arg7[%dma_wait3A, %dma_wait3A_93] : memref<8x128xi32, #tpu.memory_space<vmem>> -> memref<1x128xi32, #tpu.memory_space<vmem>>
      %dma_wait3A_95 = tpu.memref_squeeze %dma_wait3A_94 : memref<1x128xi32, #tpu.memory_space<vmem>> -> memref<128xi32, #tpu.memory_space<vmem>>
      %dma_wait3A_96 = arith.constant 0 : i32
      %dma_wait3A_97 = tpu.memref_slice %arg3[%dma_wait3A_96] : memref<2000000xi32, #tpu.memory_space<hbm>> -> memref<2000000xi32, #tpu.memory_space<hbm>>
      tpu.wait_indirect_dma semaphore(%arg11 : memref<!tpu.dma_semaphore, #tpu.memory_space<semaphore_mem>>) src(%dma_wait3A_97 : memref<2000000xi32, #tpu.memory_space<hbm>>) dst(%dma_wait3A_92 : memref<128xi32, #tpu.memory_space<vmem>>)
      %dma_wait3A_98 = arith.constant 1 : i32
      %dma_wait3A_99 = arith.constant 128 : i32
      %dma_wait3A_100 = tpu.memref_slice %arg8[%dma_wait3A_99] : memref<1024xi32, #tpu.memory_space<vmem>> -> memref<128xi32, #tpu.memory_space<vmem>>
      %dma_wait3A_101 = arith.constant 0 : i32
      %dma_wait3A_102 = tpu.memref_slice %arg7[%dma_wait3A_98, %dma_wait3A_101] : memref<8x128xi32, #tpu.memory_space<vmem>> -> memref<1x128xi32, #tpu.memory_space<vmem>>
      %dma_wait3A_103 = tpu.memref_squeeze %dma_wait3A_102 : memref<1x128xi32, #tpu.memory_space<vmem>> -> memref<128xi32, #tpu.memory_space<vmem>>
      %dma_wait3A_104 = arith.constant 0 : i32
      %dma_wait3A_105 = tpu.memref_slice %arg3[%dma_wait3A_104] : memref<2000000xi32, #tpu.memory_space<hbm>> -> memref<2000000xi32, #tpu.memory_space<hbm>>
      tpu.wait_indirect_dma semaphore(%arg11 : memref<!tpu.dma_semaphore, #tpu.memory_space<semaphore_mem>>) src(%dma_wait3A_105 : memref<2000000xi32, #tpu.memory_space<hbm>>) dst(%dma_wait3A_100 : memref<128xi32, #tpu.memory_space<vmem>>)
      %dma_wait3A_106 = arith.constant 2 : i32
      %dma_wait3A_107 = arith.constant 256 : i32
      %dma_wait3A_108 = tpu.memref_slice %arg8[%dma_wait3A_107] : memref<1024xi32, #tpu.memory_space<vmem>> -> memref<128xi32, #tpu.memory_space<vmem>>
      %dma_wait3A_109 = arith.constant 0 : i32
      %dma_wait3A_110 = tpu.memref_slice %arg7[%dma_wait3A_106, %dma_wait3A_109] : memref<8x128xi32, #tpu.memory_space<vmem>> -> memref<1x128xi32, #tpu.memory_space<vmem>>
      %dma_wait3A_111 = tpu.memref_squeeze %dma_wait3A_110 : memref<1x128xi32, #tpu.memory_space<vmem>> -> memref<128xi32, #tpu.memory_space<vmem>>
      %dma_wait3A_112 = arith.constant 0 : i32
      %dma_wait3A_113 = tpu.memref_slice %arg3[%dma_wait3A_112] : memref<2000000xi32, #tpu.memory_space<hbm>> -> memref<2000000xi32, #tpu.memory_space<hbm>>
      tpu.wait_indirect_dma semaphore(%arg11 : memref<!tpu.dma_semaphore, #tpu.memory_space<semaphore_mem>>) src(%dma_wait3A_113 : memref<2000000xi32, #tpu.memory_space<hbm>>) dst(%dma_wait3A_108 : memref<128xi32, #tpu.memory_space<vmem>>)
      %dma_wait3A_114 = arith.constant 3 : i32
      %dma_wait3A_115 = arith.constant 384 : i32
      %dma_wait3A_116 = tpu.memref_slice %arg8[%dma_wait3A_115] : memref<1024xi32, #tpu.memory_space<vmem>> -> memref<128xi32, #tpu.memory_space<vmem>>
      %dma_wait3A_117 = arith.constant 0 : i32
      %dma_wait3A_118 = tpu.memref_slice %arg7[%dma_wait3A_114, %dma_wait3A_117] : memref<8x128xi32, #tpu.memory_space<vmem>> -> memref<1x128xi32, #tpu.memory_space<vmem>>
      %dma_wait3A_119 = tpu.memref_squeeze %dma_wait3A_118 : memref<1x128xi32, #tpu.memory_space<vmem>> -> memref<128xi32, #tpu.memory_space<vmem>>
      %dma_wait3A_120 = arith.constant 0 : i32
      %dma_wait3A_121 = tpu.memref_slice %arg3[%dma_wait3A_120] : memref<2000000xi32, #tpu.memory_space<hbm>> -> memref<2000000xi32, #tpu.memory_space<hbm>>
      tpu.wait_indirect_dma semaphore(%arg11 : memref<!tpu.dma_semaphore, #tpu.memory_space<semaphore_mem>>) src(%dma_wait3A_121 : memref<2000000xi32, #tpu.memory_space<hbm>>) dst(%dma_wait3A_116 : memref<128xi32, #tpu.memory_space<vmem>>)
      %dma_wait3A_122 = arith.constant 4 : i32
      %dma_wait3A_123 = arith.constant 512 : i32
      %dma_wait3A_124 = tpu.memref_slice %arg8[%dma_wait3A_123] : memref<1024xi32, #tpu.memory_space<vmem>> -> memref<128xi32, #tpu.memory_space<vmem>>
      %dma_wait3A_125 = arith.constant 0 : i32
      %dma_wait3A_126 = tpu.memref_slice %arg7[%dma_wait3A_122, %dma_wait3A_125] : memref<8x128xi32, #tpu.memory_space<vmem>> -> memref<1x128xi32, #tpu.memory_space<vmem>>
      %dma_wait3A_127 = tpu.memref_squeeze %dma_wait3A_126 : memref<1x128xi32, #tpu.memory_space<vmem>> -> memref<128xi32, #tpu.memory_space<vmem>>
      %dma_wait3A_128 = arith.constant 0 : i32
      %dma_wait3A_129 = tpu.memref_slice %arg3[%dma_wait3A_128] : memref<2000000xi32, #tpu.memory_space<hbm>> -> memref<2000000xi32, #tpu.memory_space<hbm>>
      tpu.wait_indirect_dma semaphore(%arg11 : memref<!tpu.dma_semaphore, #tpu.memory_space<semaphore_mem>>) src(%dma_wait3A_129 : memref<2000000xi32, #tpu.memory_space<hbm>>) dst(%dma_wait3A_124 : memref<128xi32, #tpu.memory_space<vmem>>)
      %dma_wait3A_130 = arith.constant 5 : i32
      %dma_wait3A_131 = arith.constant 640 : i32
      %dma_wait3A_132 = tpu.memref_slice %arg8[%dma_wait3A_131] : memref<1024xi32, #tpu.memory_space<vmem>> -> memref<128xi32, #tpu.memory_space<vmem>>
      %dma_wait3A_133 = arith.constant 0 : i32
      %dma_wait3A_134 = tpu.memref_slice %arg7[%dma_wait3A_130, %dma_wait3A_133] : memref<8x128xi32, #tpu.memory_space<vmem>> -> memref<1x128xi32, #tpu.memory_space<vmem>>
      %dma_wait3A_135 = tpu.memref_squeeze %dma_wait3A_134 : memref<1x128xi32, #tpu.memory_space<vmem>> -> memref<128xi32, #tpu.memory_space<vmem>>
      %dma_wait3A_136 = arith.constant 0 : i32
      %dma_wait3A_137 = tpu.memref_slice %arg3[%dma_wait3A_136] : memref<2000000xi32, #tpu.memory_space<hbm>> -> memref<2000000xi32, #tpu.memory_space<hbm>>
      tpu.wait_indirect_dma semaphore(%arg11 : memref<!tpu.dma_semaphore, #tpu.memory_space<semaphore_mem>>) src(%dma_wait3A_137 : memref<2000000xi32, #tpu.memory_space<hbm>>) dst(%dma_wait3A_132 : memref<128xi32, #tpu.memory_space<vmem>>)
      %dma_wait3A_138 = arith.constant 6 : i32
      %dma_wait3A_139 = arith.constant 768 : i32
      %dma_wait3A_140 = tpu.memref_slice %arg8[%dma_wait3A_139] : memref<1024xi32, #tpu.memory_space<vmem>> -> memref<128xi32, #tpu.memory_space<vmem>>
      %dma_wait3A_141 = arith.constant 0 : i32
      %dma_wait3A_142 = tpu.memref_slice %arg7[%dma_wait3A_138, %dma_wait3A_141] : memref<8x128xi32, #tpu.memory_space<vmem>> -> memref<1x128xi32, #tpu.memory_space<vmem>>
      %dma_wait3A_143 = tpu.memref_squeeze %dma_wait3A_142 : memref<1x128xi32, #tpu.memory_space<vmem>> -> memref<128xi32, #tpu.memory_space<vmem>>
      %dma_wait3A_144 = arith.constant 0 : i32
      %dma_wait3A_145 = tpu.memref_slice %arg3[%dma_wait3A_144] : memref<2000000xi32, #tpu.memory_space<hbm>> -> memref<2000000xi32, #tpu.memory_space<hbm>>
      tpu.wait_indirect_dma semaphore(%arg11 : memref<!tpu.dma_semaphore, #tpu.memory_space<semaphore_mem>>) src(%dma_wait3A_145 : memref<2000000xi32, #tpu.memory_space<hbm>>) dst(%dma_wait3A_140 : memref<128xi32, #tpu.memory_space<vmem>>)
      %dma_wait3A_146 = arith.constant 7 : i32
      %dma_wait3A_147 = arith.constant 896 : i32
      %dma_wait3A_148 = tpu.memref_slice %arg8[%dma_wait3A_147] : memref<1024xi32, #tpu.memory_space<vmem>> -> memref<128xi32, #tpu.memory_space<vmem>>
      %dma_wait3A_149 = arith.constant 0 : i32
      %dma_wait3A_150 = tpu.memref_slice %arg7[%dma_wait3A_146, %dma_wait3A_149] : memref<8x128xi32, #tpu.memory_space<vmem>> -> memref<1x128xi32, #tpu.memory_space<vmem>>
      %dma_wait3A_151 = tpu.memref_squeeze %dma_wait3A_150 : memref<1x128xi32, #tpu.memory_space<vmem>> -> memref<128xi32, #tpu.memory_space<vmem>>
      %dma_wait3A_152 = arith.constant 0 : i32
      %dma_wait3A_153 = tpu.memref_slice %arg3[%dma_wait3A_152] : memref<2000000xi32, #tpu.memory_space<hbm>> -> memref<2000000xi32, #tpu.memory_space<hbm>>
      tpu.wait_indirect_dma semaphore(%arg11 : memref<!tpu.dma_semaphore, #tpu.memory_space<semaphore_mem>>) src(%dma_wait3A_153 : memref<2000000xi32, #tpu.memory_space<hbm>>) dst(%dma_wait3A_148 : memref<128xi32, #tpu.memory_space<vmem>>)
      %scan3A_154 = arith.constant 0 : i32
      %scan3A_155 = arith.constant 0 : i32
      %scan3A_156 = arith.constant 64 : i32
      %scan3A_157 = arith.addi %scan3A_155, %scan3A_156 : i32
      %scan3A_158 = arith.constant 1 : i32
      %scan3A_159 = scf.for %scan3A_327 = %scan3A_155 to %scan3A_157 step %scan3A_158 iter_args(%scan3A_328 = %scan3A_154) -> (i32)  : i32 {
        %mul3A_329 = arith.constant 16 : i32
        %mul3A_330 = arith.muli %mul3A_329, %scan3A_327 : i32
        %get3A = arith.index_cast %mul3A_330 : i32 to index
        %get3A_331 = tpu.vector_load %arg8[%get3A] {strides = array<i32>} : memref<1024xi32, #tpu.memory_space<vmem>>, vector<16xi32>,
        %get3A_332 = vector.shape_cast %get3A_331 : vector<16xi32> to vector<16xi32>
        %mul3A_333 = arith.constant 400 : i32
        %mul3A_334 = vector.broadcast %mul3A_333 : i32 to vector<16xi32>
        %mul3A_335 = arith.muli %and3A_9, %mul3A_334 : vector<16xi32>
        %add3A_336 = arith.addi %get3A_332, %mul3A_335 : vector<16xi32>
        %shift_right_arithmetic3A_337 = arith.constant 3 : i32
        %shift_right_arithmetic3A_338 = arith.shrsi %scan3A_327, %shift_right_arithmetic3A_337 : i32
        %and3A_339 = arith.constant 7 : i32
        %and3A_340 = arith.andi %scan3A_327, %and3A_339 : i32
        %mul3A_341 = arith.constant 16 : i32
        %mul3A_342 = arith.muli %and3A_340, %mul3A_341 : i32
        %swap3A = arith.index_cast %shift_right_arithmetic3A_338 : i32 to index
        %swap3A_343 = arith.index_cast %mul3A_342 : i32 to index
        %swap3A_344 = tpu.vector_load %arg9[%swap3A, %swap3A_343] {strides = array<i32>} : memref<8x128xi32, #tpu.memory_space<vmem>>, vector<1x16xi32>,
        %swap3A_345 = vector.shape_cast %swap3A_344 : vector<1x16xi32> to vector<16xi32>
        %swap3A_346 = vector.shape_cast %add3A_336 : vector<16xi32> to vector<1x16xi32>
        tpu.vector_store %arg9[%swap3A, %swap3A_343], %swap3A_346 {strides = array<i32>} : memref<8x128xi32, #tpu.memory_space<vmem>>, vector<1x16xi32>,
        %scan3A_347 = arith.constant 0 : i32
        scf.yield %scan3A_347 : i32
      }
      %scan3A_160 = arith.constant 64 : i32
      %dma_start3A_161 = arith.constant 0 : i32
      %dma_start3A_162 = arith.constant 0 : i32
      %dma_start3A_163 = arith.constant 0 : i32
      %dma_start3A_164 = tpu.memref_slice %arg10[%dma_start3A_162, %dma_start3A_163] : memref<1024x64xf32, #tpu.memory_space<vmem>> -> memref<128x64xf32, #tpu.memory_space<vmem>>
      %dma_start3A_165 = arith.constant 0 : i32
      %dma_start3A_166 = tpu.memref_slice %arg9[%dma_start3A_161, %dma_start3A_165] : memref<8x128xi32, #tpu.memory_space<vmem>> -> memref<1x128xi32, #tpu.memory_space<vmem>>
      %dma_start3A_167 = tpu.memref_squeeze %dma_start3A_166 : memref<1x128xi32, #tpu.memory_space<vmem>> -> memref<128xi32, #tpu.memory_space<vmem>>
      %dma_start3A_168 = arith.constant 0 : i32
      %dma_start3A_169 = arith.constant 0 : i32
      %dma_start3A_170 = tpu.memref_slice %arg4[%dma_start3A_168, %dma_start3A_169] : memref<800x64xf32, #tpu.memory_space<hbm>> -> memref<800x64xf32, #tpu.memory_space<hbm>>
      tpu.enqueue_indirect_dma source(%dma_start3A_170 : memref<800x64xf32, #tpu.memory_space<hbm>>) target(%dma_start3A_164 : memref<128x64xf32, #tpu.memory_space<vmem>>) offsets(%dma_start3A_167 : memref<128xi32, #tpu.memory_space<vmem>>) semaphore(%arg11 : memref<!tpu.dma_semaphore, #tpu.memory_space<semaphore_mem>>)
      %dma_start3A_171 = arith.constant 1 : i32
      %dma_start3A_172 = arith.constant 128 : i32
      %dma_start3A_173 = arith.constant 0 : i32
      %dma_start3A_174 = tpu.memref_slice %arg10[%dma_start3A_172, %dma_start3A_173] : memref<1024x64xf32, #tpu.memory_space<vmem>> -> memref<128x64xf32, #tpu.memory_space<vmem>>
      %dma_start3A_175 = arith.constant 0 : i32
      %dma_start3A_176 = tpu.memref_slice %arg9[%dma_start3A_171, %dma_start3A_175] : memref<8x128xi32, #tpu.memory_space<vmem>> -> memref<1x128xi32, #tpu.memory_space<vmem>>
      %dma_start3A_177 = tpu.memref_squeeze %dma_start3A_176 : memref<1x128xi32, #tpu.memory_space<vmem>> -> memref<128xi32, #tpu.memory_space<vmem>>
      %dma_start3A_178 = arith.constant 0 : i32
      %dma_start3A_179 = arith.constant 0 : i32
      %dma_start3A_180 = tpu.memref_slice %arg4[%dma_start3A_178, %dma_start3A_179] : memref<800x64xf32, #tpu.memory_space<hbm>> -> memref<800x64xf32, #tpu.memory_space<hbm>>
      tpu.enqueue_indirect_dma source(%dma_start3A_180 : memref<800x64xf32, #tpu.memory_space<hbm>>) target(%dma_start3A_174 : memref<128x64xf32, #tpu.memory_space<vmem>>) offsets(%dma_start3A_177 : memref<128xi32, #tpu.memory_space<vmem>>) semaphore(%arg11 : memref<!tpu.dma_semaphore, #tpu.memory_space<semaphore_mem>>)
      %dma_start3A_181 = arith.constant 2 : i32
      %dma_start3A_182 = arith.constant 256 : i32
      %dma_start3A_183 = arith.constant 0 : i32
      %dma_start3A_184 = tpu.memref_slice %arg10[%dma_start3A_182, %dma_start3A_183] : memref<1024x64xf32, #tpu.memory_space<vmem>> -> memref<128x64xf32, #tpu.memory_space<vmem>>
      %dma_start3A_185 = arith.constant 0 : i32
      %dma_start3A_186 = tpu.memref_slice %arg9[%dma_start3A_181, %dma_start3A_185] : memref<8x128xi32, #tpu.memory_space<vmem>> -> memref<1x128xi32, #tpu.memory_space<vmem>>
      %dma_start3A_187 = tpu.memref_squeeze %dma_start3A_186 : memref<1x128xi32, #tpu.memory_space<vmem>> -> memref<128xi32, #tpu.memory_space<vmem>>
      %dma_start3A_188 = arith.constant 0 : i32
      %dma_start3A_189 = arith.constant 0 : i32
      %dma_start3A_190 = tpu.memref_slice %arg4[%dma_start3A_188, %dma_start3A_189] : memref<800x64xf32, #tpu.memory_space<hbm>> -> memref<800x64xf32, #tpu.memory_space<hbm>>
      tpu.enqueue_indirect_dma source(%dma_start3A_190 : memref<800x64xf32, #tpu.memory_space<hbm>>) target(%dma_start3A_184 : memref<128x64xf32, #tpu.memory_space<vmem>>) offsets(%dma_start3A_187 : memref<128xi32, #tpu.memory_space<vmem>>) semaphore(%arg11 : memref<!tpu.dma_semaphore, #tpu.memory_space<semaphore_mem>>)
      %dma_start3A_191 = arith.constant 3 : i32
      %dma_start3A_192 = arith.constant 384 : i32
      %dma_start3A_193 = arith.constant 0 : i32
      %dma_start3A_194 = tpu.memref_slice %arg10[%dma_start3A_192, %dma_start3A_193] : memref<1024x64xf32, #tpu.memory_space<vmem>> -> memref<128x64xf32, #tpu.memory_space<vmem>>
      %dma_start3A_195 = arith.constant 0 : i32
      %dma_start3A_196 = tpu.memref_slice %arg9[%dma_start3A_191, %dma_start3A_195] : memref<8x128xi32, #tpu.memory_space<vmem>> -> memref<1x128xi32, #tpu.memory_space<vmem>>
      %dma_start3A_197 = tpu.memref_squeeze %dma_start3A_196 : memref<1x128xi32, #tpu.memory_space<vmem>> -> memref<128xi32, #tpu.memory_space<vmem>>
      %dma_start3A_198 = arith.constant 0 : i32
      %dma_start3A_199 = arith.constant 0 : i32
      %dma_start3A_200 = tpu.memref_slice %arg4[%dma_start3A_198, %dma_start3A_199] : memref<800x64xf32, #tpu.memory_space<hbm>> -> memref<800x64xf32, #tpu.memory_space<hbm>>
      tpu.enqueue_indirect_dma source(%dma_start3A_200 : memref<800x64xf32, #tpu.memory_space<hbm>>) target(%dma_start3A_194 : memref<128x64xf32, #tpu.memory_space<vmem>>) offsets(%dma_start3A_197 : memref<128xi32, #tpu.memory_space<vmem>>) semaphore(%arg11 : memref<!tpu.dma_semaphore, #tpu.memory_space<semaphore_mem>>)
      %dma_start3A_201 = arith.constant 4 : i32
      %dma_start3A_202 = arith.constant 512 : i32
      %dma_start3A_203 = arith.constant 0 : i32
      %dma_start3A_204 = tpu.memref_slice %arg10[%dma_start3A_202, %dma_start3A_203] : memref<1024x64xf32, #tpu.memory_space<vmem>> -> memref<128x64xf32, #tpu.memory_space<vmem>>
      %dma_start3A_205 = arith.constant 0 : i32
      %dma_start3A_206 = tpu.memref_slice %arg9[%dma_start3A_201, %dma_start3A_205] : memref<8x128xi32, #tpu.memory_space<vmem>> -> memref<1x128xi32, #tpu.memory_space<vmem>>
      %dma_start3A_207 = tpu.memref_squeeze %dma_start3A_206 : memref<1x128xi32, #tpu.memory_space<vmem>> -> memref<128xi32, #tpu.memory_space<vmem>>
      %dma_start3A_208 = arith.constant 0 : i32
      %dma_start3A_209 = arith.constant 0 : i32
      %dma_start3A_210 = tpu.memref_slice %arg4[%dma_start3A_208, %dma_start3A_209] : memref<800x64xf32, #tpu.memory_space<hbm>> -> memref<800x64xf32, #tpu.memory_space<hbm>>
      tpu.enqueue_indirect_dma source(%dma_start3A_210 : memref<800x64xf32, #tpu.memory_space<hbm>>) target(%dma_start3A_204 : memref<128x64xf32, #tpu.memory_space<vmem>>) offsets(%dma_start3A_207 : memref<128xi32, #tpu.memory_space<vmem>>) semaphore(%arg11 : memref<!tpu.dma_semaphore, #tpu.memory_space<semaphore_mem>>)
      %dma_start3A_211 = arith.constant 5 : i32
      %dma_start3A_212 = arith.constant 640 : i32
      %dma_start3A_213 = arith.constant 0 : i32
      %dma_start3A_214 = tpu.memref_slice %arg10[%dma_start3A_212, %dma_start3A_213] : memref<1024x64xf32, #tpu.memory_space<vmem>> -> memref<128x64xf32, #tpu.memory_space<vmem>>
      %dma_start3A_215 = arith.constant 0 : i32
      %dma_start3A_216 = tpu.memref_slice %arg9[%dma_start3A_211, %dma_start3A_215] : memref<8x128xi32, #tpu.memory_space<vmem>> -> memref<1x128xi32, #tpu.memory_space<vmem>>
      %dma_start3A_217 = tpu.memref_squeeze %dma_start3A_216 : memref<1x128xi32, #tpu.memory_space<vmem>> -> memref<128xi32, #tpu.memory_space<vmem>>
      %dma_start3A_218 = arith.constant 0 : i32
      %dma_start3A_219 = arith.constant 0 : i32
      %dma_start3A_220 = tpu.memref_slice %arg4[%dma_start3A_218, %dma_start3A_219] : memref<800x64xf32, #tpu.memory_space<hbm>> -> memref<800x64xf32, #tpu.memory_space<hbm>>
      tpu.enqueue_indirect_dma source(%dma_start3A_220 : memref<800x64xf32, #tpu.memory_space<hbm>>) target(%dma_start3A_214 : memref<128x64xf32, #tpu.memory_space<vmem>>) offsets(%dma_start3A_217 : memref<128xi32, #tpu.memory_space<vmem>>) semaphore(%arg11 : memref<!tpu.dma_semaphore, #tpu.memory_space<semaphore_mem>>)
      %dma_start3A_221 = arith.constant 6 : i32
      %dma_start3A_222 = arith.constant 768 : i32
      %dma_start3A_223 = arith.constant 0 : i32
      %dma_start3A_224 = tpu.memref_slice %arg10[%dma_start3A_222, %dma_start3A_223] : memref<1024x64xf32, #tpu.memory_space<vmem>> -> memref<128x64xf32, #tpu.memory_space<vmem>>
      %dma_start3A_225 = arith.constant 0 : i32
      %dma_start3A_226 = tpu.memref_slice %arg9[%dma_start3A_221, %dma_start3A_225] : memref<8x128xi32, #tpu.memory_space<vmem>> -> memref<1x128xi32, #tpu.memory_space<vmem>>
      %dma_start3A_227 = tpu.memref_squeeze %dma_start3A_226 : memref<1x128xi32, #tpu.memory_space<vmem>> -> memref<128xi32, #tpu.memory_space<vmem>>
      %dma_start3A_228 = arith.constant 0 : i32
      %dma_start3A_229 = arith.constant 0 : i32
      %dma_start3A_230 = tpu.memref_slice %arg4[%dma_start3A_228, %dma_start3A_229] : memref<800x64xf32, #tpu.memory_space<hbm>> -> memref<800x64xf32, #tpu.memory_space<hbm>>
      tpu.enqueue_indirect_dma source(%dma_start3A_230 : memref<800x64xf32, #tpu.memory_space<hbm>>) target(%dma_start3A_224 : memref<128x64xf32, #tpu.memory_space<vmem>>) offsets(%dma_start3A_227 : memref<128xi32, #tpu.memory_space<vmem>>) semaphore(%arg11 : memref<!tpu.dma_semaphore, #tpu.memory_space<semaphore_mem>>)
      %dma_start3A_231 = arith.constant 7 : i32
      %dma_start3A_232 = arith.constant 896 : i32
      %dma_start3A_233 = arith.constant 0 : i32
      %dma_start3A_234 = tpu.memref_slice %arg10[%dma_start3A_232, %dma_start3A_233] : memref<1024x64xf32, #tpu.memory_space<vmem>> -> memref<128x64xf32, #tpu.memory_space<vmem>>
      %dma_start3A_235 = arith.constant 0 : i32
      %dma_start3A_236 = tpu.memref_slice %arg9[%dma_start3A_231, %dma_start3A_235] : memref<8x128xi32, #tpu.memory_space<vmem>> -> memref<1x128xi32, #tpu.memory_space<vmem>>
      %dma_start3A_237 = tpu.memref_squeeze %dma_start3A_236 : memref<1x128xi32, #tpu.memory_space<vmem>> -> memref<128xi32, #tpu.memory_space<vmem>>
      %dma_start3A_238 = arith.constant 0 : i32
      %dma_start3A_239 = arith.constant 0 : i32
      %dma_start3A_240 = tpu.memref_slice %arg4[%dma_start3A_238, %dma_start3A_239] : memref<800x64xf32, #tpu.memory_space<hbm>> -> memref<800x64xf32, #tpu.memory_space<hbm>>
      tpu.enqueue_indirect_dma source(%dma_start3A_240 : memref<800x64xf32, #tpu.memory_space<hbm>>) target(%dma_start3A_234 : memref<128x64xf32, #tpu.memory_space<vmem>>) offsets(%dma_start3A_237 : memref<128xi32, #tpu.memory_space<vmem>>) semaphore(%arg11 : memref<!tpu.dma_semaphore, #tpu.memory_space<semaphore_mem>>)
      %dma_wait3A_241 = arith.constant 0 : i32
      %dma_wait3A_242 = arith.constant 0 : i32
      %dma_wait3A_243 = arith.constant 0 : i32
      %dma_wait3A_244 = tpu.memref_slice %arg10[%dma_wait3A_242, %dma_wait3A_243] : memref<1024x64xf32, #tpu.memory_space<vmem>> -> memref<128x64xf32, #tpu.memory_space<vmem>>
      %dma_wait3A_245 = arith.constant 0 : i32
      %dma_wait3A_246 = tpu.memref_slice %arg9[%dma_wait3A_241, %dma_wait3A_245] : memref<8x128xi32, #tpu.memory_space<vmem>> -> memref<1x128xi32, #tpu.memory_space<vmem>>
      %dma_wait3A_247 = tpu.memref_squeeze %dma_wait3A_246 : memref<1x128xi32, #tpu.memory_space<vmem>> -> memref<128xi32, #tpu.memory_space<vmem>>
      %dma_wait3A_248 = arith.constant 0 : i32
      %dma_wait3A_249 = arith.constant 0 : i32
      %dma_wait3A_250 = tpu.memref_slice %arg4[%dma_wait3A_248, %dma_wait3A_249] : memref<800x64xf32, #tpu.memory_space<hbm>> -> memref<800x64xf32, #tpu.memory_space<hbm>>
      tpu.wait_indirect_dma semaphore(%arg11 : memref<!tpu.dma_semaphore, #tpu.memory_space<semaphore_mem>>) src(%dma_wait3A_250 : memref<800x64xf32, #tpu.memory_space<hbm>>) dst(%dma_wait3A_244 : memref<128x64xf32, #tpu.memory_space<vmem>>)
      %dma_wait3A_251 = arith.constant 1 : i32
      %dma_wait3A_252 = arith.constant 128 : i32
      %dma_wait3A_253 = arith.constant 0 : i32
      %dma_wait3A_254 = tpu.memref_slice %arg10[%dma_wait3A_252, %dma_wait3A_253] : memref<1024x64xf32, #tpu.memory_space<vmem>> -> memref<128x64xf32, #tpu.memory_space<vmem>>
      %dma_wait3A_255 = arith.constant 0 : i32
      %dma_wait3A_256 = tpu.memref_slice %arg9[%dma_wait3A_251, %dma_wait3A_255] : memref<8x128xi32, #tpu.memory_space<vmem>> -> memref<1x128xi32, #tpu.memory_space<vmem>>
      %dma_wait3A_257 = tpu.memref_squeeze %dma_wait3A_256 : memref<1x128xi32, #tpu.memory_space<vmem>> -> memref<128xi32, #tpu.memory_space<vmem>>
      %dma_wait3A_258 = arith.constant 0 : i32
      %dma_wait3A_259 = arith.constant 0 : i32
      %dma_wait3A_260 = tpu.memref_slice %arg4[%dma_wait3A_258, %dma_wait3A_259] : memref<800x64xf32, #tpu.memory_space<hbm>> -> memref<800x64xf32, #tpu.memory_space<hbm>>
      tpu.wait_indirect_dma semaphore(%arg11 : memref<!tpu.dma_semaphore, #tpu.memory_space<semaphore_mem>>) src(%dma_wait3A_260 : memref<800x64xf32, #tpu.memory_space<hbm>>) dst(%dma_wait3A_254 : memref<128x64xf32, #tpu.memory_space<vmem>>)
      %dma_wait3A_261 = arith.constant 2 : i32
      %dma_wait3A_262 = arith.constant 256 : i32
      %dma_wait3A_263 = arith.constant 0 : i32
      %dma_wait3A_264 = tpu.memref_slice %arg10[%dma_wait3A_262, %dma_wait3A_263] : memref<1024x64xf32, #tpu.memory_space<vmem>> -> memref<128x64xf32, #tpu.memory_space<vmem>>
      %dma_wait3A_265 = arith.constant 0 : i32
      %dma_wait3A_266 = tpu.memref_slice %arg9[%dma_wait3A_261, %dma_wait3A_265] : memref<8x128xi32, #tpu.memory_space<vmem>> -> memref<1x128xi32, #tpu.memory_space<vmem>>
      %dma_wait3A_267 = tpu.memref_squeeze %dma_wait3A_266 : memref<1x128xi32, #tpu.memory_space<vmem>> -> memref<128xi32, #tpu.memory_space<vmem>>
      %dma_wait3A_268 = arith.constant 0 : i32
      %dma_wait3A_269 = arith.constant 0 : i32
      %dma_wait3A_270 = tpu.memref_slice %arg4[%dma_wait3A_268, %dma_wait3A_269] : memref<800x64xf32, #tpu.memory_space<hbm>> -> memref<800x64xf32, #tpu.memory_space<hbm>>
      tpu.wait_indirect_dma semaphore(%arg11 : memref<!tpu.dma_semaphore, #tpu.memory_space<semaphore_mem>>) src(%dma_wait3A_270 : memref<800x64xf32, #tpu.memory_space<hbm>>) dst(%dma_wait3A_264 : memref<128x64xf32, #tpu.memory_space<vmem>>)
      %dma_wait3A_271 = arith.constant 3 : i32
      %dma_wait3A_272 = arith.constant 384 : i32
      %dma_wait3A_273 = arith.constant 0 : i32
      %dma_wait3A_274 = tpu.memref_slice %arg10[%dma_wait3A_272, %dma_wait3A_273] : memref<1024x64xf32, #tpu.memory_space<vmem>> -> memref<128x64xf32, #tpu.memory_space<vmem>>
      %dma_wait3A_275 = arith.constant 0 : i32
      %dma_wait3A_276 = tpu.memref_slice %arg9[%dma_wait3A_271, %dma_wait3A_275] : memref<8x128xi32, #tpu.memory_space<vmem>> -> memref<1x128xi32, #tpu.memory_space<vmem>>
      %dma_wait3A_277 = tpu.memref_squeeze %dma_wait3A_276 : memref<1x128xi32, #tpu.memory_space<vmem>> -> memref<128xi32, #tpu.memory_space<vmem>>
      %dma_wait3A_278 = arith.constant 0 : i32
      %dma_wait3A_279 = arith.constant 0 : i32
      %dma_wait3A_280 = tpu.memref_slice %arg4[%dma_wait3A_278, %dma_wait3A_279] : memref<800x64xf32, #tpu.memory_space<hbm>> -> memref<800x64xf32, #tpu.memory_space<hbm>>
      tpu.wait_indirect_dma semaphore(%arg11 : memref<!tpu.dma_semaphore, #tpu.memory_space<semaphore_mem>>) src(%dma_wait3A_280 : memref<800x64xf32, #tpu.memory_space<hbm>>) dst(%dma_wait3A_274 : memref<128x64xf32, #tpu.memory_space<vmem>>)
      %dma_wait3A_281 = arith.constant 4 : i32
      %dma_wait3A_282 = arith.constant 512 : i32
      %dma_wait3A_283 = arith.constant 0 : i32
      %dma_wait3A_284 = tpu.memref_slice %arg10[%dma_wait3A_282, %dma_wait3A_283] : memref<1024x64xf32, #tpu.memory_space<vmem>> -> memref<128x64xf32, #tpu.memory_space<vmem>>
      %dma_wait3A_285 = arith.constant 0 : i32
      %dma_wait3A_286 = tpu.memref_slice %arg9[%dma_wait3A_281, %dma_wait3A_285] : memref<8x128xi32, #tpu.memory_space<vmem>> -> memref<1x128xi32, #tpu.memory_space<vmem>>
      %dma_wait3A_287 = tpu.memref_squeeze %dma_wait3A_286 : memref<1x128xi32, #tpu.memory_space<vmem>> -> memref<128xi32, #tpu.memory_space<vmem>>
      %dma_wait3A_288 = arith.constant 0 : i32
      %dma_wait3A_289 = arith.constant 0 : i32
      %dma_wait3A_290 = tpu.memref_slice %arg4[%dma_wait3A_288, %dma_wait3A_289] : memref<800x64xf32, #tpu.memory_space<hbm>> -> memref<800x64xf32, #tpu.memory_space<hbm>>
      tpu.wait_indirect_dma semaphore(%arg11 : memref<!tpu.dma_semaphore, #tpu.memory_space<semaphore_mem>>) src(%dma_wait3A_290 : memref<800x64xf32, #tpu.memory_space<hbm>>) dst(%dma_wait3A_284 : memref<128x64xf32, #tpu.memory_space<vmem>>)
      %dma_wait3A_291 = arith.constant 5 : i32
      %dma_wait3A_292 = arith.constant 640 : i32
      %dma_wait3A_293 = arith.constant 0 : i32
      %dma_wait3A_294 = tpu.memref_slice %arg10[%dma_wait3A_292, %dma_wait3A_293] : memref<1024x64xf32, #tpu.memory_space<vmem>> -> memref<128x64xf32, #tpu.memory_space<vmem>>
      %dma_wait3A_295 = arith.constant 0 : i32
      %dma_wait3A_296 = tpu.memref_slice %arg9[%dma_wait3A_291, %dma_wait3A_295] : memref<8x128xi32, #tpu.memory_space<vmem>> -> memref<1x128xi32, #tpu.memory_space<vmem>>
      %dma_wait3A_297 = tpu.memref_squeeze %dma_wait3A_296 : memref<1x128xi32, #tpu.memory_space<vmem>> -> memref<128xi32, #tpu.memory_space<vmem>>
      %dma_wait3A_298 = arith.constant 0 : i32
      %dma_wait3A_299 = arith.constant 0 : i32
      %dma_wait3A_300 = tpu.memref_slice %arg4[%dma_wait3A_298, %dma_wait3A_299] : memref<800x64xf32, #tpu.memory_space<hbm>> -> memref<800x64xf32, #tpu.memory_space<hbm>>
      tpu.wait_indirect_dma semaphore(%arg11 : memref<!tpu.dma_semaphore, #tpu.memory_space<semaphore_mem>>) src(%dma_wait3A_300 : memref<800x64xf32, #tpu.memory_space<hbm>>) dst(%dma_wait3A_294 : memref<128x64xf32, #tpu.memory_space<vmem>>)
      %dma_wait3A_301 = arith.constant 6 : i32
      %dma_wait3A_302 = arith.constant 768 : i32
      %dma_wait3A_303 = arith.constant 0 : i32
      %dma_wait3A_304 = tpu.memref_slice %arg10[%dma_wait3A_302, %dma_wait3A_303] : memref<1024x64xf32, #tpu.memory_space<vmem>> -> memref<128x64xf32, #tpu.memory_space<vmem>>
      %dma_wait3A_305 = arith.constant 0 : i32
      %dma_wait3A_306 = tpu.memref_slice %arg9[%dma_wait3A_301, %dma_wait3A_305] : memref<8x128xi32, #tpu.memory_space<vmem>> -> memref<1x128xi32, #tpu.memory_space<vmem>>
      %dma_wait3A_307 = tpu.memref_squeeze %dma_wait3A_306 : memref<1x128xi32, #tpu.memory_space<vmem>> -> memref<128xi32, #tpu.memory_space<vmem>>
      %dma_wait3A_308 = arith.constant 0 : i32
      %dma_wait3A_309 = arith.constant 0 : i32
      %dma_wait3A_310 = tpu.memref_slice %arg4[%dma_wait3A_308, %dma_wait3A_309] : memref<800x64xf32, #tpu.memory_space<hbm>> -> memref<800x64xf32, #tpu.memory_space<hbm>>
      tpu.wait_indirect_dma semaphore(%arg11 : memref<!tpu.dma_semaphore, #tpu.memory_space<semaphore_mem>>) src(%dma_wait3A_310 : memref<800x64xf32, #tpu.memory_space<hbm>>) dst(%dma_wait3A_304 : memref<128x64xf32, #tpu.memory_space<vmem>>)
      %dma_wait3A_311 = arith.constant 7 : i32
      %dma_wait3A_312 = arith.constant 896 : i32
      %dma_wait3A_313 = arith.constant 0 : i32
      %dma_wait3A_314 = tpu.memref_slice %arg10[%dma_wait3A_312, %dma_wait3A_313] : memref<1024x64xf32, #tpu.memory_space<vmem>> -> memref<128x64xf32, #tpu.memory_space<vmem>>
      %dma_wait3A_315 = arith.constant 0 : i32
      %dma_wait3A_316 = tpu.memref_slice %arg9[%dma_wait3A_311, %dma_wait3A_315] : memref<8x128xi32, #tpu.memory_space<vmem>> -> memref<1x128xi32, #tpu.memory_space<vmem>>
      %dma_wait3A_317 = tpu.memref_squeeze %dma_wait3A_316 : memref<1x128xi32, #tpu.memory_space<vmem>> -> memref<128xi32, #tpu.memory_space<vmem>>
      %dma_wait3A_318 = arith.constant 0 : i32
      %dma_wait3A_319 = arith.constant 0 : i32
      %dma_wait3A_320 = tpu.memref_slice %arg4[%dma_wait3A_318, %dma_wait3A_319] : memref<800x64xf32, #tpu.memory_space<hbm>> -> memref<800x64xf32, #tpu.memory_space<hbm>>
      tpu.wait_indirect_dma semaphore(%arg11 : memref<!tpu.dma_semaphore, #tpu.memory_space<semaphore_mem>>) src(%dma_wait3A_320 : memref<800x64xf32, #tpu.memory_space<hbm>>) dst(%dma_wait3A_314 : memref<128x64xf32, #tpu.memory_space<vmem>>)
      %mul3A_321 = arith.constant 512 : i32
      %mul3A_322 = arith.muli %scan3A_16, %mul3A_321 : i32
      %add3A_323 = arith.addi %mul3A_2, %mul3A_322 : i32
      %mul3A_324 = arith.constant 2 : i32
      %mul3A_325 = arith.muli %mul3A_324, %add3A_323 : i32
      "tpu.region"() ({
        %run_scoped3A = tpu.sem_alloc : memref<!tpu.dma_semaphore, #tpu.memory_space<semaphore_mem>>
        %dma_start3A_327 = arith.constant 0 : i32
        %dma_start3A_328 = tpu.memref_slice %arg5[%mul3A_325, %dma_start3A_327] : memref<1638400x64xf32, #tpu.memory_space<hbm>> -> memref<1024x64xf32, #tpu.memory_space<hbm>>
        %dma_start3A_329 = arith.constant 0 : i32
        %dma_start3A_330 = tpu.memref_slice %arg5[%mul3A_325, %dma_start3A_329] : memref<1638400x64xf32, #tpu.memory_space<hbm>> -> memref<1024x64xf32, #tpu.memory_space<hbm>>
        tpu.enqueue_dma source(%arg10 : memref<1024x64xf32, #tpu.memory_space<vmem>>) target(%dma_start3A_330 : memref<1024x64xf32, #tpu.memory_space<hbm>>) target_semaphore(%run_scoped3A : memref<!tpu.dma_semaphore, #tpu.memory_space<semaphore_mem>>)
        %dma_wait3A_331 = arith.constant 0 : i32
        %dma_wait3A_332 = tpu.memref_slice %arg5[%mul3A_325, %dma_wait3A_331] : memref<1638400x64xf32, #tpu.memory_space<hbm>> -> memref<1024x64xf32, #tpu.memory_space<hbm>>
        %dma_wait3A_333 = arith.constant 0 : i32
        %dma_wait3A_334 = tpu.memref_slice %arg5[%mul3A_325, %dma_wait3A_333] : memref<1638400x64xf32, #tpu.memory_space<hbm>> -> memref<1024x64xf32, #tpu.memory_space<hbm>>
        tpu.wait_dma2 semaphore(%run_scoped3A : memref<!tpu.dma_semaphore, #tpu.memory_space<semaphore_mem>>) src(%arg10 : memref<1024x64xf32, #tpu.memory_space<vmem>>) dst(%dma_wait3A_334 : memref<1024x64xf32, #tpu.memory_space<hbm>>)
        tpu.yield
      }) : () -> ()
      %scan3A_326 = arith.constant 0 : i32
      scf.yield %scan3A_326 : i32
    }
    %scan3A_15 = arith.constant 50 : i32
    return
  }
}

</mosaic_0001>

<sc_bundles>
// kernel: kernel.3.cloned.1.call-start
scs
__scs_entry_jumppad:
0x0: {  	(pc) =	sbr.rel $0x88, $3  }
0x1: {  	(tag) =	ssettag $0x0;
	lr =	simm.s32 $0x1  }
0x2: {  	[smem:$0x3F9E] =	sst lr;
	_ =	strace $0xD0000000  }
0x3: {  	_ = 	snop  }
0x4: {  	_ = 	snop  }
0x5: {  	_ = 	snop  }
0x6: {  	_ = 	snop  }
0x7: {  	_ = 	snop  }
__scs_overlays_trampoline_lowered:
0x8: {  	[smem:$0x3FAD] =	sst s0  }
0x9: {  	[smem:$0x3FAE] =	sst s1  }
0xa: {  	[smem:$0x3FAF] =	sst s2  }
0xb: {  	[smem:$0x3FB0] =	sst s3  }
0xc: {  	[smem:$0x3FB1] =	sst s4  }
0xd: {  	[smem:$0x3FB2] =	sst s5  }
0xe: {  	[smem:$0x3FB3] =	sst s6  }
0xf: {  	[smem:$0x3FB4] =	sst s7  }
0x10: {  	[smem:$0x3FB5] =	sst s8  }
0x11: {  	[smem:$0x3FB6] =	sst s9;
	s0 =	simm.s32 @!p0 $0x0  }
0x12: {  	s1 =	sld [smem:$0x3F9C];
	s0 =	simm.s32 @p0 $0x1  }
0x13: {  	[smem:$0x3FB7] =	sst s0;
	s0 =	simm.s32 @!p1 $0x0  }
0x14: {  	s2 =	sld [smem:$0x3F9B];
	s0 =	simm.s32 @p1 $0x1  }
0x15: {  	[smem:$0x3FB8] =	sst s0;
	s0 =	simm.s32 @!p2 $0x0  }
0x16: {  	s3 =	sld [smem:$0x3FDB];
	s0 =	simm.s32 @p2 $0x1  }
0x17: {  	s4 =	simm.s32 $0x1BF5;
	[smem:$0x3FBA] =	sst s0  }
0x18: {  	s0 =	sld [smem:$0x3F9D];
	_ =	swait.ge [sflag:s4], $0x0  }
0x19: {  	s7 =	sld [smem:$0x3F9E]  }
0x1a: {  	s8 =	sadd.s32 $0xFFFFE003, lr  }
0x1b: {  	s9 =	sadd.s32 $0xFFFFFEF7, lr;
	s5 =	simm.s32 $0xFFFFFFFF;
	p2 =	slt.u32 s8, $0xFFFFF086  }
0x1c: {  	p1 =	slt.u32 s9, $0xF7A;
	s5 =	simm.s32 @!p2 $0x0  }
0x1d: {  	s5 =	simm.s32 @p1 $0x1;
	p0 =	seq.s32 s7, s2  }
0x1e: {  	s7 =	smul.u32 @!p0 $0xF7A, s2;
	p2 =	seq.s32 @!p0 s5, $0x0  }
0x1f: {  	s9 =	smul.u32 $0xF7A, s1;
	s8 =	simm.s32 @!p0 $0x1BF5;
	p2 =	por !p2, p0  }
0x20: {  	[sflag:s8] =	ssyncset.s32 @!p0 $0xFFFFF086;
	s6 =	sadd.s32 @!p0 s3, s7;
	s7 =	simm.s32 @!p0 $0x108  }
0x21: {  	s3 =	sadd.s32 s3, s9;
	s6 =	sadd.s32 @!p0 $0x88, s6;
	s7 =	simm.s32 @p2 $0x1082  }
0x22: {  	[simem:s7], [sflag:s8] =	dma.local @!p0 [hbm:s6], $0xF7A  }
0x23: {  	s9 =	sor.u32 $0xD0000000, s2;
	s6 =	simm.s32 $0x108;
	_ =	swait.ge @!p0 [sflag:s8], $0x0  }
0x24: {  	s3 =	sadd.s32 $0x88, s3;
	s6 =	simm.s32 @!p1 $0x1082;
	[sflag:s4] =	ssyncset.s32 $0xFFFFF086  }
0x25: {  	[simem:s6], [sflag:s4] =	dma.local [hbm:s3], $0xF7A  }
0x26: {  	[smem:$0x3F9E] =	sst s1;
	(tag) =	ssettag s2;
	_ =	strace s9  }
0x27: {  	s1 =	sld [smem:$0x3FAE]  }
0x28: {  	s2 =	sld [smem:$0x3FAF]  }
0x29: {  	s4 =	sld [smem:$0x3FB1]  }
0x2a: {  	p0 =	seq.s32 s5, $0x0;
	s5 =	sld [smem:$0x3FB2]  }
0x2b: {  	s6 =	sld [smem:$0x3FB3]  }
0x2c: {  	s7 =	sld [smem:$0x3FB4]  }
0x2d: {  	s3 =	simm.s32 $0x108;
	s8 =	sld [smem:$0x3FB5]  }
0x2e: {  	s3 =	simm.s32 @!p0 $0x1082;
	s9 =	sld [smem:$0x3FB6]  }
0x2f: {  	lr =	sadd.s32 s0, s3;
	s0 =	sld [smem:$0x3FAD]  }
0x30: {  	s3 =	sld [smem:$0x3FB0]  }
0x31: {  	[smem:$0x3FB9] =	sst s10  }
0x32: {  	s10 =	sld [smem:$0x3FB7];
	_ =	sdelay $0x3  }
0x33: {  	p0 =	seq.s32 s10, $0x1;
	s10 =	sld [smem:$0x3FB9];
	_ =	sdelay $0x3  }
0x34: {  	[smem:$0x3FB9] =	sst s10  }
0x35: {  	s10 =	sld [smem:$0x3FB8];
	_ =	sdelay $0x3  }
0x36: {  	p1 =	seq.s32 s10, $0x1;
	s10 =	sld [smem:$0x3FB9];
	_ =	sdelay $0x3  }
0x37: {  	[smem:$0x3FB9] =	sst s10  }
0x38: {  	s10 =	sld [smem:$0x3FBA]  }
0x39: {  	_ = 	snop;
	(pc) =	sbr.ind lr, $3  }
0x3a: {  	_ = 	snop  }
0x3b: {  	_ = 	snop  }
0x3c: {  	p2 =	seq.s32 s10, $0x1;
	s10 =	sld [smem:$0x3FB9]  }
0x3d: {  	_ =	shalt  }
0x3e: {  	_ =	shalt  }
0x3f: {  	_ =	shalt  }
0x40: {  	_ =	shalt  }
0x41: {  	_ =	shalt  }
0x42: {  	_ =	shalt  }
0x43: {  	_ =	shalt  }
0x44: {  	_ =	shalt  }
0x45: {  	_ =	shalt  }
0x46: {  	_ =	shalt  }
0x47: {  	_ =	shalt  }
0x48: {  	_ =	shalt  }
0x49: {  	_ =	shalt  }
0x4a: {  	_ =	shalt  }
0x4b: {  	_ =	shalt  }
0x4c: {  	_ =	shalt  }
0x4d: {  	_ =	shalt  }
0x4e: {  	_ =	shalt  }
0x4f: {  	_ =	shalt  }
0x50: {  	_ =	shalt  }
0x51: {  	_ =	shalt  }
0x52: {  	_ =	shalt  }
0x53: {  	_ =	shalt  }
0x54: {  	_ =	shalt  }
0x55: {  	_ =	shalt  }
0x56: {  	_ =	shalt  }
0x57: {  	_ =	shalt  }
0x58: {  	_ =	shalt  }
0x59: {  	_ =	shalt  }
0x5a: {  	_ =	shalt  }
0x5b: {  	_ =	shalt  }
0x5c: {  	_ =	shalt  }
0x5d: {  	_ =	shalt  }
0x5e: {  	_ =	shalt  }
0x5f: {  	_ =	shalt  }
0x60: {  	_ =	shalt  }
0x61: {  	_ =	shalt  }
0x62: {  	_ =	shalt  }
0x63: {  	_ =	shalt  }
0x64: {  	_ =	shalt  }
0x65: {  	_ =	shalt  }
0x66: {  	_ =	shalt  }
0x67: {  	_ =	shalt  }
0x68: {  	_ =	shalt  }
0x69: {  	_ =	shalt  }
0x6a: {  	_ =	shalt  }
0x6b: {  	_ =	shalt  }
0x6c: {  	_ =	shalt  }
0x6d: {  	_ =	shalt  }
0x6e: {  	_ =	shalt  }
0x6f: {  	_ =	shalt  }
0x70: {  	_ =	shalt  }
0x71: {  	_ =	shalt  }
0x72: {  	_ =	shalt  }
0x73: {  	_ =	shalt  }
0x74: {  	_ =	shalt  }
0x75: {  	_ =	shalt  }
0x76: {  	_ =	shalt  }
0x77: {  	_ =	shalt  }
0x78: {  	_ =	shalt  }
0x79: {  	_ =	shalt  }
0x7a: {  	_ =	shalt  }
0x7b: {  	_ =	shalt  }
0x7c: {  	_ =	shalt  }
0x7d: {  	_ =	shalt  }
0x7e: {  	_ =	shalt  }
0x7f: {  	_ =	shalt  }
0x80: {  	_ =	shalt  }
0x81: {  	_ =	shalt  }
0x82: {  	_ =	shalt  }
0x83: {  	_ =	shalt  }
0x84: {  	_ =	shalt  }
0x85: {  	_ =	shalt  }
0x86: {  	_ =	shalt  }
0x87: {  	_ =	shalt  }
.Lfunc_end0:
.L_simem_size_0:
called_computation_lowered:
.L_overlay_start_0:
0x88: {  	s2 =	sld [smem:$0x3FD9]  }
0x89: {  	s3 =	sld [smem:$0x3FFE];
	_ =	sdelay $0x1  }
0x8a: {  	s1 =	srdreg.scid  }
0x8b: {  	s0 =	sand.u32 $0x1, s1  }
0x8c: {  	s17 =	sshll.u32 s0, $0xA;
	s2 =	sadd.s32 s3, s2  }
0x8d: {  	s2 =	sadd.s32 s2, s17  }
0x8e: {  	[smem:$0x3FC5] =	sst s2  }
0x8f: {  	_ = 	snop  }
0x90: {  	s2 =	sld [smem:$0x3FD0];
	(tm) =	ssettm $0x1  }
0x91: {  	s18 =	sld [smem:$0x3FFB];
	_ =	sdelay $0x3  }
0x92: {  	_ =	strace s18  }
0x93: {  	s3 =	sld [smem:$0x3FFC];
	_ =	sdelay $0x3  }
0x94: {  	_ =	strace s3  }
0x95: {  	s3 =	sld [smem:$0x3FFD];
	_ =	sdelay $0x3  }
0x96: {  	_ =	strace s3  }
0x97: {  	_ =	strace $0x8FFFFFFF  }
0x98: {  	s19 =	sld [smem:$0x3FDB];
	_ =	sdelay $0x1  }
0x99: {  	s4 =	simm.s32 $_scs_section_size  }
0x9a: {  	s5 =	simm.s32 $_size__tile_overlayer_lowered;
	s6 =	simm.s32 $_tile_overlayer_lowered  }
0x9b: {  	s22 =	simm.s32 $0x1BFF;
	s21 =	sshll.u32 s6, $0x1;
	s3 =	sadd.s32 s4, s19  }
0x9c: {  	s7 =	simm.s32 $0x0;
	s20 =	sshll.u32 s5, $0x1;
	s5 =	sadd.s32 s21, s3  }
0x9d: {  	[timem:s7], [sflag:s22] =	dma.local [hbm:s5], s20  }
0x9e: {  	_ =	swait.ge [sflag:s22], s20  }
0x9f: {  	s4 =	ssub.s32 $0x0, s20;
	[sflag:s22] =	ssyncset.done $0x0  }
0xa0: {  	[sflag:s22] =	ssyncadd.s32 s4;
	_ =	sdelay $0x1  }
0xa1: {  	s23 =	simm.s32 $0x1B8B  }
0xa2: {  	_ =	swait.ge [sflag:s23], $0x1  }
0xa3: {  	[sflag:s23] =	ssyncset.done $0x0  }
0xa4: {  	s25 =	simm.s32 $0x1B8E;
	s24 =	sld [smem:$0x3FFE];
	[sflag:s23] =	ssyncadd.s32 $0xFFFFFFFF  }
0xa5: {  	s26 =	simm.s32 $execute0_lowered;
	[smem:$0x3FD2] =	sst s25  }
0xa6: {  	s5 =	sshll.u32 s26, $0x1;
	_ =	strace $0x80000046;
	[dreg:$0x1] =	wrdreg $0xFFFFFFFF  }
0xa7: {  	s28 =	simm.s32 $_size_execute0_lowered;
	s3 =	sadd.s32 s3, s5;
	[dreg:$0x0] =	wrdreg $0x0  }
0xa8: {  	s5 =	sshll.u32 s28, $0x1;
	[dreg:$0x2] =	wrdreg s3  }
0xa9: {  	[dreg:$0x3] =	wrdreg s5  }
0xaa: {  	[dreg:$0x4] =	wrdreg $0xC0  }
0xab: {  	_ =	task [dreg:s7], $0x5FFFF  }
0xac: {  	[dreg:$0x1] =	wrdreg $0xFFFFFFFF  }
0xad: {  	[dreg:$0x0] =	wrdreg $0x60  }
0xae: {  	[dreg:$0x2] =	wrdreg s24  }
0xaf: {  	[dreg:$0x3] =	wrdreg s2  }
0xb0: {  	[dreg:$0x4] =	wrdreg $0x9  }
0xb1: {  	_ =	task.clear_ibuf [dreg:s7], $0x5FFFF;
	_ =	strace $0x90000046  }
0xb2: {  	s29 =	simm.s32 $0x9;
	_ =	strace $0x80000048  }
0xb3: {  	_ =	swait.ge [sflag:s29], $0x1  }
0xb4: {  	[sflag:s29] =	ssyncadd.s32 $0xFFFFFFFF  }
0xb5: {  	_ =	strace $0x90000048  }
0xb6: {  	_ =	sfence  }
0xb7: {  	s30 =	sld [smem:$0x0];
	_ =	sdelay $0x2  }
0xb8: {  	s31 =	sshll.u32 s1, $0xD;
	s1 =	sshrl.u32 s1, $0x2  }
0xb9: {  	s3 =	sand.u32 $0x4000, s31;
	s1 =	sadd.s32 s1, s30  }
0xba: {  	s0 =	sor.u32 s3, s0;
	s1 =	sshll.u32 s1, $0x11  }
0xbb: {  	s0 =	sor.u32 s1, s0  }
0xbc: {  	s0 =	sadd.s32 $0x8F2B, s0  }
0xbd: {  	[sflag:s0] =	ssyncadd.remote.s32 $0x1  }
0xbe: {  	_ =	sfence.sel $0xFFFF  }
0xbf: {  	[dreg:$0x0] =	wrdreg $0xFFFFFFFF;
	(pc) =	sbr.abs _section_cstart, $3  }
0xc0: {  	[dreg:$0x1] =	wrdreg $0xFFFFFFFF  }
0xc1: {  	_ =	task.clear_ibuf [dreg:s7], $0x2FFFF;
	_ =	strace $0x9FFFFFFF  }
0xc2: {  	(tm) =	ssettm $0x7FFFFFFF  }
0xc3: {  	_ =	shalt  }
tec
execute0_lowered:
.L_overlay_start_1:
0x0: {  	(tag) =	ssettag $0x1  }
0x1: {  	s0 =	rddreg [dreg:$0x0]  }
0x2: {  	s1 =	simm.s32 $0x0;
	s25 =	srdreg.scid;
	s3 =	stileid.u32  }
0x3: {  	s9 =	simm.s32 $0x2;
	s10 =	simm.s32 $0x80;
	s24 =	simm.s32 $0x580  }
0x4: {  	s28 =	simm.s32 $0xA00;
	s29 =	simm.s32 $0xE00;
	s30 =	simm.s32 $0xA80  }
0x5: {  	s31 =	simm.s32 $0x2E00;
	s8 =	simm.s32 $0xB80;
	s11 =	simm.s32 $0x8E00  }
0x6: {  	s12 =	simm.s32 $0xC80;
	s13 =	simm.s32 $0xAE00;
	s14 =	simm.s32 $0xD00  }
0x7: {  	s15 =	simm.s32 $0xCE00;
	s16 =	simm.s32 $0xD80;
	s17 =	simm.s32 $0xEE00  }
0x8: {  	s19 =	simm.s32 $0x0;
	[smem:$0x7FF] =	sst s1;
	s1 =	sand.u32 $0x1, s25  }
0x9: {  	s4 =	sadd.s32 $0x800, s0;
	s3 =	sshll.u32 s3, $0x1;
	s5 =	sadd.s32 $0xF42C00, s0  }
0xa: {  	s6 =	sadd.s32 $0x19800, s0;
	s25 =	simm.s32 $0x980;
	s2 =	ssub.s32 $0x2, s1  }
0xb: {  	_ =	strace $0x80000047;
	s1 =	sor.u32 s1, s3;
	s7 =	sshrl.u32 s2, $0x1  }
0xc: {  	v1 =	vlaneseq.u32;
	s3 =	simm.s32 $0xC00;
	s26 =	ssub.s32 s2, s7;
	s7 =	smul.u32 $0x6400, s1  }
0xd: {  	v0 =	vshrl.u32 v1, $0x1;
	v1 =	vand.u32 $0x1, v1;
	s2 =	simm.s32 $0x4E00;
	s1 =	simm.s32 $0x6E00;
	s0 =	smax.u32 s26, $0x1  }
0xe: {  	v2 =	vor.u32 $0x8, v0;
	v3 =	vmul.u32 $0x190, v1;
	s26 =	simm.s32 $0x1;
	[dreg:$0x3] =	wrdreg s0;
	s0 =	simm.s32 $0xB00  }
.LBB2_1:
0xf: {  	[dreg:$0x4] =	wrdreg s19;
	s18 =	simm.s32 $0x0  }
.LBB2_2:
0x10: {  	s19 =	sshll.u32 s18, $0x9  }
0x11: {  	s19 =	sadd.s32 s7, s19  }
0x12: {  	s20 =	sshrl.u32 s19, $0x3  }
0x13: {  	s21 =	sadd.s32 s4, s20;
	s20 =	simm.s32 $0x0  }
0x14: {  	[tilespmem:s20], [sflag:$0x2] =	stream.linear.gather [hbm4b:s21+s20], $0x200, $0x38;
	[tilespmem:$0x10E00] =	vst v63  }
0x15: {  	_ =	swait.ge [sflag:s9], $0x200  }
0x16: {  	[sflag:s9] =	ssyncset.done $0x0  }
0x17: {  	[sflag:s9] =	ssyncadd.s32 $0xFFFFFE00  }
0x18: {  	s22 =	simm.s32 $0x0;
	s21 =	simm.s32 $0x20;
	v4 =	vld [tilespmem:s20+$0x0]  }
.LBB2_3:
0x19: {  	p0 =	sne.s32 s21, $0x3E0;
	_ =	sdelay $0x3  }
0x1a: {  	v5 =	vperm.xlane v4, v0;
	v4 =	vperm.xlane v4, v2;
	_ =	sdelay $0x1  }
.Ltmp0:
0x1b: {  	v5 =	vshll.u32 v5, $0x1;
	v4 =	vshll.u32 v4, $0x1;
	(pc) =	sbr.rel @p0 .LBB2_3-.Ltmp0, $4  }
0x1c: {  	s23 =	sand.u32 $0x3E0, s20;
	s20 =	smov.u32 s21;
	v5 =	vor.u32 v1, v5;
	v4 =	vor.u32 v1, v4  }
0x1d: {  	[tilespmem:s23+$0x200] =	vst v5  }
0x1e: {  	s22 =	sadd.s32 $0x10, s22;
	[tilespmem:s23+$0x210] =	vst v4  }
0x1f: {  	s21 =	sadd.s32 $0x20, s21;
	v4 =	vld [tilespmem:s22+$0x0]  }
0x20: {  	_ =	sdelay $0x3  }
0x21: {  	v5 =	vperm.xlane v4, v0  }
0x22: {  	v4 =	vperm.xlane v4, v2  }
0x23: {  	v5 =	vshll.u32 v5, $0x1  }
0x24: {  	s20 =	sand.u32 $0x3E0, s20;
	v4 =	vshll.u32 v4, $0x1;
	v5 =	vor.u32 v1, v5  }
0x25: {  	v4 =	vor.u32 v1, v4;
	[tilespmem:s20+$0x200] =	vst v5  }
0x26: {  	s21 =	simm.s32 $0x200;
	[tilespmem:s20+$0x210] =	vst v4;
	s20 =	simm.s32 $0x600  }
0x27: {  	[tilespmem:s20], [sflag:$0x1] =	stream.indirect.gather [hbm4b:s5+s10], $0x1, s21, s10, $0xb8;
	[tilespmem:$0x10E00] =	vst v63  }
0x28: {  	s23 =	simm.s32 $0x280;
	s22 =	simm.s32 $0x680  }
0x29: {  	[tilespmem:s22], [sflag:$0x1] =	stream.indirect.gather [hbm4b:s5+s10], $0x1, s23, s10, $0xb8;
	[tilespmem:$0x10E00] =	vst v63  }
0x2a: {  	s22 =	simm.s32 $0x300;
	s23 =	simm.s32 $0x700  }
0x2b: {  	[tilespmem:s23], [sflag:$0x1] =	stream.indirect.gather [hbm4b:s5+s10], $0x1, s22, s10, $0xb8;
	[tilespmem:$0x10E00] =	vst v63  }
0x2c: {  	s22 =	simm.s32 $0x380;
	s23 =	simm.s32 $0x780  }
0x2d: {  	[tilespmem:s23], [sflag:$0x1] =	stream.indirect.gather [hbm4b:s5+s10], $0x1, s22, s10, $0xb8;
	[tilespmem:$0x10E00] =	vst v63  }
0x2e: {  	s22 =	simm.s32 $0x400;
	s23 =	simm.s32 $0x800  }
0x2f: {  	[tilespmem:s23], [sflag:$0x1] =	stream.indirect.gather [hbm4b:s5+s10], $0x1, s22, s10, $0xb8;
	[tilespmem:$0x10E00] =	vst v63  }
0x30: {  	s22 =	simm.s32 $0x480;
	s23 =	simm.s32 $0x880  }
0x31: {  	[tilespmem:s23], [sflag:$0x1] =	stream.indirect.gather [hbm4b:s5+s10], $0x1, s22, s10, $0xb8;
	[tilespmem:$0x10E00] =	vst v63  }
0x32: {  	s22 =	simm.s32 $0x500;
	s23 =	simm.s32 $0x900  }
0x33: {  	[tilespmem:s23], [sflag:$0x1] =	stream.indirect.gather [hbm4b:s5+s10], $0x1, s22, s10, $0xb8;
	[tilespmem:$0x10E00] =	vst v63  }
0x34: {  	_ = 	snop  }
0x35: {  	[tilespmem:s25], [sflag:$0x1] =	stream.indirect.gather [hbm4b:s5+s10], $0x1, s24, s10, $0xb8;
	[tilespmem:$0x10E00] =	vst v63  }
0x36: {  	_ =	swait.ge [sflag:s26], $0x80  }
0x37: {  	[sflag:s26] =	ssyncset.done $0x0  }
0x38: {  	[sflag:s26] =	ssyncadd.s32 $0xFFFFFF80  }
0x39: {  	_ =	swait.ge [sflag:s26], $0x80  }
0x3a: {  	[sflag:s26] =	ssyncset.done $0x0  }
0x3b: {  	[sflag:s26] =	ssyncadd.s32 $0xFFFFFF80  }
0x3c: {  	_ =	swait.ge [sflag:s26], $0x80  }
0x3d: {  	[sflag:s26] =	ssyncset.done $0x0  }
0x3e: {  	[sflag:s26] =	ssyncadd.s32 $0xFFFFFF80  }
0x3f: {  	_ =	swait.ge [sflag:s26], $0x80  }
0x40: {  	[sflag:s26] =	ssyncset.done $0x0  }
0x41: {  	[sflag:s26] =	ssyncadd.s32 $0xFFFFFF80  }
0x42: {  	_ =	swait.ge [sflag:s26], $0x80  }
0x43: {  	[sflag:s26] =	ssyncset.done $0x0  }
0x44: {  	[sflag:s26] =	ssyncadd.s32 $0xFFFFFF80  }
0x45: {  	_ =	swait.ge [sflag:s26], $0x80  }
0x46: {  	[sflag:s26] =	ssyncset.done $0x0  }
0x47: {  	[sflag:s26] =	ssyncadd.s32 $0xFFFFFF80  }
0x48: {  	_ =	swait.ge [sflag:s26], $0x80  }
0x49: {  	[sflag:s26] =	ssyncset.done $0x0  }
0x4a: {  	[sflag:s26] =	ssyncadd.s32 $0xFFFFFF80  }
0x4b: {  	_ =	swait.ge [sflag:s26], $0x80  }
0x4c: {  	[sflag:s26] =	ssyncset.done $0x0  }
0x4d: {  	[sflag:s26] =	ssyncadd.s32 $0xFFFFFF80  }
0x4e: {  	s21 =	simm.s32 $0x0;
	s22 =	simm.s32 $0x10;
	v4 =	vld [tilespmem:s20+$0x0]  }
.LBB2_5:
0x4f: {  	p0 =	sne.s32 s22, $0x3F0;
	_ =	sdelay $0x1  }
.Ltmp1:
0x50: {  	(pc) =	sbr.rel @p0 .LBB2_5-.Ltmp1, $4  }
0x51: {  	_ = 	snop  }
0x52: {  	s23 =	sand.u32 $0x3F0, s21;
	s21 =	smov.u32 s22;
	v4 =	vadd.s32 v3, v4  }
0x53: {  	s20 =	sadd.s32 $0x10, s20;
	[tilespmem:s23+$0xA00] =	vst v4  }
0x54: {  	s22 =	sadd.s32 $0x10, s22;
	v4 =	vld [tilespmem:s20+$0x0]  }
0x55: {  	_ =	sdelay $0x3  }
0x56: {  	s20 =	sand.u32 $0x3F0, s21;
	v4 =	vadd.s32 v3, v4  }
0x57: {  	[tilespmem:s20+$0xA00] =	vst v4  }
0x58: {  	[tilespmem:s29], [sflag:$0x1] =	stream.indirect.gather [hbm4b:s6+s10], $0x40, s28, s10, $0xb8;
	[tilespmem:$0x10E00] =	vst v63  }
0x59: {  	_ = 	snop  }
0x5a: {  	[tilespmem:s31], [sflag:$0x1] =	stream.indirect.gather [hbm4b:s6+s10], $0x40, s30, s10, $0xb8;
	[tilespmem:$0x10E00] =	vst v63  }
0x5b: {  	_ = 	snop  }
0x5c: {  	[tilespmem:s2], [sflag:$0x1] =	stream.indirect.gather [hbm4b:s6+s10], $0x40, s0, s10, $0xb8;
	[tilespmem:$0x10E00] =	vst v63  }
0x5d: {  	_ = 	snop  }
0x5e: {  	[tilespmem:s1], [sflag:$0x1] =	stream.indirect.gather [hbm4b:s6+s10], $0x40, s8, s10, $0xb8;
	[tilespmem:$0x10E00] =	vst v63  }
0x5f: {  	_ = 	snop  }
0x60: {  	[tilespmem:s11], [sflag:$0x1] =	stream.indirect.gather [hbm4b:s6+s10], $0x40, s3, s10, $0xb8;
	[tilespmem:$0x10E00] =	vst v63  }
0x61: {  	_ = 	snop  }
0x62: {  	[tilespmem:s13], [sflag:$0x1] =	stream.indirect.gather [hbm4b:s6+s10], $0x40, s12, s10, $0xb8;
	[tilespmem:$0x10E00] =	vst v63  }
0x63: {  	_ = 	snop  }
0x64: {  	[tilespmem:s15], [sflag:$0x1] =	stream.indirect.gather [hbm4b:s6+s10], $0x40, s14, s10, $0xb8;
	[tilespmem:$0x10E00] =	vst v63  }
0x65: {  	_ = 	snop  }
0x66: {  	[tilespmem:s17], [sflag:$0x1] =	stream.indirect.gather [hbm4b:s6+s10], $0x40, s16, s10, $0xb8;
	[tilespmem:$0x10E00] =	vst v63  }
0x67: {  	_ =	swait.ge [sflag:s26], $0x2000  }
0x68: {  	[sflag:s26] =	ssyncset.done $0x0  }
0x69: {  	[sflag:s26] =	ssyncadd.s32 $0xFFFFE000  }
0x6a: {  	_ =	swait.ge [sflag:s26], $0x2000  }
0x6b: {  	[sflag:s26] =	ssyncset.done $0x0  }
0x6c: {  	[sflag:s26] =	ssyncadd.s32 $0xFFFFE000  }
0x6d: {  	_ =	swait.ge [sflag:s26], $0x2000  }
0x6e: {  	[sflag:s26] =	ssyncset.done $0x0  }
0x6f: {  	[sflag:s26] =	ssyncadd.s32 $0xFFFFE000  }
0x70: {  	_ =	swait.ge [sflag:s26], $0x2000  }
0x71: {  	[sflag:s26] =	ssyncset.done $0x0  }
0x72: {  	[sflag:s26] =	ssyncadd.s32 $0xFFFFE000  }
0x73: {  	_ =	swait.ge [sflag:s26], $0x2000  }
0x74: {  	[sflag:s26] =	ssyncset.done $0x0  }
0x75: {  	[sflag:s26] =	ssyncadd.s32 $0xFFFFE000  }
0x76: {  	_ =	swait.ge [sflag:s26], $0x2000  }
0x77: {  	[sflag:s26] =	ssyncset.done $0x0  }
0x78: {  	[sflag:s26] =	ssyncadd.s32 $0xFFFFE000  }
0x79: {  	_ =	swait.ge [sflag:s26], $0x2000  }
0x7a: {  	[sflag:s26] =	ssyncset.done $0x0  }
0x7b: {  	[sflag:s26] =	ssyncadd.s32 $0xFFFFE000  }
0x7c: {  	_ =	swait.ge [sflag:s26], $0x2000  }
0x7d: {  	[sflag:s26] =	ssyncset.done $0x0  }
0x7e: {  	s18 =	sadd.s32 $0x1, s18;
	[sflag:s26] =	ssyncadd.s32 $0xFFFFE000  }
0x7f: {  	s19 =	sshll.u32 s19, $0x4;
	p0 =	sne.s32 s18, $0x32;
	s22 =	rddreg [dreg:$0x1]  }
.Ltmp2:
0x80: {  	s23 =	simm.s32 $0x0;
	s19 =	sadd.s32 s22, s19;
	(pc) =	sbr.rel @p0 .LBB2_2-.Ltmp2, $4  }
0x81: {  	[hbm4b:s19+s23] =	stream.linear.scatter [tilespmem:s29], [sflag:$0x2], $0x10000, $0x38;
	[tilespmem:$0x10E00] =	vst v63  }
0x82: {  	_ =	swait.ge [sflag:s9], $0x10000  }
0x83: {  	[sflag:s9] =	ssyncset.done $0x0  }
0x84: {  	[sflag:s9] =	ssyncadd.s32 $0xFFFF0000  }
0x85: {  	s19 =	rddreg [dreg:$0x4]  }
0x86: {  	s18 =	rddreg [dreg:$0x3];
	s19 =	sadd.s32 $0x1, s19  }
0x87: {  	p0 =	sne.s32 s19, s18  }
.Ltmp3:
0x88: {  	_ = 	snop;
	(pc) =	sbr.rel @p0 .LBB2_1-.Ltmp3, $1  }
0x89: {  	_ =	sdelay $0x3  }
0x8a: {  	_ =	sfence.sel $0x180000  }
0x8b: {  	[bflag:$0x0] =	sbarrier.arrive $0xFFFF  }
0x8c: {  	_ =	strace $0x90000047  }
0x8d: {  	s0 =	stileid.u32;
	[bflag:$0x2] =	sbarrier.arrive $0xFFFF  }
0x8e: {  	p0 =	sne.s32 s0, $0x0;
	s0 =	rddreg [dreg:$0x2]  }
0x8f: {  	s0 =	sadd.s32 @!p0 $0x100000, s0  }
0x90: {  	[sflag:s0] =	ssyncadd.tile.s32 @!p0 $0x1;
	_ =	shalt  }
.Lfunc_end2:
_tile_overlayer_lowered:
.L_overlay_start_2:
0x91: {  	(tag) =	ssettag $0x2  }
0x92: {  	s0 =	rddreg [dreg:$0x0];
	s2 =	stileid.u32  }
0x93: {  	s1 =	rddreg [dreg:$0x1];
	p0 =	sne.s32 s2, $0x0  }
0x94: {  	s3 =	rddreg [dreg:$0x2];
	[bflag:$0x3] =	sbarrier.arrive $0xFFFF;
	s2 =	simm.s32 @!p0 $0x1C02  }
0x95: {  	[timem:s3], [sflag:s2] =	dma.local @!p0 [hbm:s0], s1  }
0x96: {  	s0 =	simm.s32 @!p0 $0x2  }
0x97: {  	_ =	swait.ge @!p0 [sflag:s0], s1  }
0x98: {  	s1 =	ssub.s32 @!p0 $0x0, s1;
	[sflag:s0] =	ssyncset.done @!p0 $0x0  }
0x99: {  	[sflag:s0] =	ssyncadd.s32 @!p0 s1  }
0x9a: {  	[bflag:$0x3] =	sbarrier.arrive $0xFFFF  }
0x9b: {  	_ =	shalt  }

</sc_bundles>
